<compile_context>
chip_gen: v7x
topology: tpu7x:2x2x1
jax: 0.10.2.dev20260603
libtpu: 0.0.44.dev20260713+nightly
codegen_flags: <defaults>
</compile_context>

<pallas_src>
import functools

import jax
import jax.numpy as jnp
from jax import lax
from jax.experimental import pallas as pl
from jax.experimental.pallas import tpu as pltpu
from jax.experimental.pallas import tpu_sc as plsc

N0 = 10000
N1 = 160000
NF = 160000
D0 = 128
D1 = 128

N0P = 10240
NFP = 163840

ACH = 160
AGA = 40
ICH = 52

_SC_PARAMS = pltpu.CompilerParams(use_tc_tiling_on_sc=False)

_MESH = plsc.VectorSubcoreMesh(core_axis_name="c", subcore_axis_name="s")



def _x1_pass_body(x_ref, w_ref, z_ref, cs_ref):
    i = pl.program_id(0)
    x = x_ref[...]
    z_ref[...] = jnp.dot(x, w_ref[...], preferred_element_type=jnp.float32)

    @pl.when(i == 0)
    def _():
        cs_ref[...] = jnp.zeros_like(cs_ref)

    cs_ref[...] += jnp.sum(x, axis=0, keepdims=True)


def _x1_pass(x1, w12p):
    blk = 3200
    return pl.pallas_call(
        _x1_pass_body,
        grid=(N1 // blk,),
        in_specs=[
            pl.BlockSpec((blk, D1), lambda i: (i, 0)),
            pl.BlockSpec((D1, 8), lambda i: (0, 0)),
        ],
        out_specs=[
            pl.BlockSpec((blk, 8), lambda i: (i, 0)),
            pl.BlockSpec((1, D1), lambda i: (0, 0)),
        ],
        out_shape=[
            jax.ShapeDtypeStruct((N1, 8), jnp.float32),
            jax.ShapeDtypeStruct((1, D1), jnp.float32),
        ],
    )(x1, w12p)


def _mm_split_body(x_ref, w_ref, o_ref):
    h = jnp.dot(x_ref[...], w_ref[...], preferred_element_type=jnp.float32)
    o_ref[0] = h[:, :64]
    o_ref[1] = h[:, 64:]


def _mm_split(x0p, w):
    blk = 2048
    return pl.pallas_call(
        _mm_split_body,
        grid=(N0P // blk,),
        in_specs=[
            pl.BlockSpec((blk, D0), lambda i: (i, 0)),
            pl.BlockSpec((D0, D0), lambda i: (0, 0)),
        ],
        out_specs=pl.BlockSpec((2, blk, 64), lambda i: (0, i, 0)),
        out_shape=jax.ShapeDtypeStruct((2, N0P, 64), jnp.float32),
    )(x0p, w)


def _relu_mm_split_body(a_ref, w_ref, o_ref):
    x = jnp.concatenate(
        [jnp.maximum(a_ref[0], 0.0), jnp.maximum(a_ref[1], 0.0)], axis=1)
    h = jnp.dot(x, w_ref[...], preferred_element_type=jnp.float32)
    o_ref[0] = h[:, :64]
    o_ref[1] = h[:, 64:]


def _relu_mm_split(acc, w):
    blk = 2048
    return pl.pallas_call(
        _relu_mm_split_body,
        grid=(N0P // blk,),
        in_specs=[
            pl.BlockSpec((2, blk, 64), lambda i: (0, i, 0)),
            pl.BlockSpec((D0, D0), lambda i: (0, 0)),
        ],
        out_specs=pl.BlockSpec((2, blk, 64), lambda i: (0, i, 0)),
        out_shape=jax.ShapeDtypeStruct((2, N0P, 64), jnp.float32),
    )(acc, w)


def _final_body(f_ref, a_ref, cs_ref, l0w_ref, l0b_ref, l1w_ref, l1b_ref,
                l2w_ref, l2b_ref, o_ref, s0_ref, s2_ref):
    i = pl.program_id(0)
    blk = 2048

    @pl.when(i == 0)
    def _():
        s0_ref[...] = jnp.zeros_like(s0_ref)
        s2_ref[...] = jnp.zeros_like(s2_ref)

    @pl.when(i < 80)
    def _():
        rows = i * blk + lax.broadcasted_iota(jnp.int32, (blk, 1), 0)
        f = jnp.maximum(f_ref[0] + f_ref[1], 0.0)
        f = jnp.where(rows < NF, f, 0.0)
        s2_ref[...] += jnp.sum(f, axis=0, keepdims=True)

    @pl.when(i >= 80)
    def _():
        j = i - 80
        rows = j * blk + lax.broadcasted_iota(jnp.int32, (blk, 1), 0)
        keep = rows < N0
        lo = jnp.where(keep, jnp.maximum(a_ref[0], 0.0), 0.0)
        hi = jnp.where(keep, jnp.maximum(a_ref[1], 0.0), 0.0)
        s0_ref[0, :64] += jnp.sum(lo, axis=0)
        s0_ref[0, 64:] += jnp.sum(hi, axis=0)

    @pl.when(i == 84)
    def _():
        m0 = s0_ref[...] * (1.0 / N0)
        m1 = cs_ref[...] * (1.0 / N1)
        m2 = s2_ref[...] * (1.0 / NF)
        o_ref[...] = (
            jnp.dot(m0, l0w_ref[...], preferred_element_type=jnp.float32)
            + l0b_ref[...]
            + jnp.dot(m1, l1w_ref[...], preferred_element_type=jnp.float32)
            + l1b_ref[...]
            + jnp.dot(m2, l2w_ref[...], preferred_element_type=jnp.float32)
            + l2b_ref[...]
        )


def _final_reduce(facc, acc1, cs1, l0w, l0b, l1w, l1b, l2wp, l2b):
    blk = 2048
    return pl.pallas_call(
        _final_body,
        grid=(85,),
        in_specs=[
            pl.BlockSpec((2, blk, 8), lambda i: (0, jnp.minimum(i, 79), 0)),
            pl.BlockSpec((2, blk, 64), lambda i: (0, jnp.maximum(i - 80, 0), 0)),
            pl.BlockSpec((1, D1), lambda i: (0, 0)),
            pl.BlockSpec((D0, 2), lambda i: (0, 0)),
            pl.BlockSpec((1, 2), lambda i: (0, 0)),
            pl.BlockSpec((D1, 2), lambda i: (0, 0)),
            pl.BlockSpec((1, 2), lambda i: (0, 0)),
            pl.BlockSpec((8, 2), lambda i: (0, 0)),
            pl.BlockSpec((1, 2), lambda i: (0, 0)),
        ],
        out_specs=pl.BlockSpec((1, 2), lambda i: (0, 0)),
        out_shape=jax.ShapeDtypeStruct((1, 2), jnp.float32),
        scratch_shapes=[
            pltpu.VMEM((1, D0), jnp.float32),
            pltpu.VMEM((1, 8), jnp.float32),
        ],
    )(facc, acc1, cs1, l0w, l0b, l1w, l1b, l2wp, l2b)



@functools.partial(
    pl.kernel,
    out_type=jax.ShapeDtypeStruct((2, N0P, 64), jnp.float32),
    mesh=_MESH,
    scratch_types=[
        pltpu.VMEM_SHARED((N0P, 64), jnp.float32),
        pltpu.VMEM_SHARED((N0P, 64), jnp.float32),
        pltpu.VMEM((AGA, 2, 128), jnp.int32),
        [pltpu.VMEM((128, 64), jnp.float32)] * 4,
        [pltpu.SemaphoreType.DMA] * 4,
        [pltpu.SemaphoreType.DMA] * 4,
    ],
    compiler_params=_SC_PARAMS,
)
def _adj_spmm(h_hbm, idx_hbm, z_hbm, out_hbm,
              h_sh, acc_sh, idx_v, gbufs, gsems, ssems):
    c = lax.axis_index("c")
    s = lax.axis_index("s")
    stripe = pl.ds(s * (N0P // 16), N0P // 16)
    pltpu.sync_copy(h_hbm.at[c, stripe], h_sh.at[stripe])
    pltpu.sync_copy(z_hbm, acc_sh.at[stripe])
    plsc.subcore_barrier()

    def quad(q, carry2):
        gd = [
            pltpu.async_copy(
                h_sh.at[idx_v.at[4 * q + b, 0]], gbufs[b], gsems[b])
            for b in range(4)
        ]
        sd = []
        for b in range(4):
            gd[b].wait()
            sd.append(pltpu.async_copy(
                gbufs[b], acc_sh.at[idx_v.at[4 * q + b, 1]], ssems[b],
                add=True))
        for d in sd:
            d.wait()
        return carry2

    def group_loop(g, carry):
        pltpu.sync_copy(idx_hbm.at[s, pl.ds(g * AGA, AGA)], idx_v)
        lax.fori_loop(0, AGA // 4, quad, 0)
        return carry

    lax.fori_loop(0, ACH // AGA, group_loop, 0)
    plsc.subcore_barrier()
    pltpu.sync_copy(acc_sh.at[stripe], out_hbm.at[c, stripe])


@functools.partial(
    pl.kernel,
    out_type=jax.ShapeDtypeStruct((2, NFP, 8), jnp.float32),
    mesh=_MESH,
    scratch_types=[
        pltpu.VMEM_SHARED((NFP, 8), jnp.float32),
        pltpu.VMEM((ICH, 2, 128), jnp.int32),
        [pltpu.VMEM((128, 8), jnp.float32)] * 4,
        [pltpu.SemaphoreType.DMA] * 4,
        [pltpu.SemaphoreType.DMA] * 4,
    ],
    compiler_params=_SC_PARAMS,
)
def _inc_spmm(z1_hbm, idx_hbm, z_hbm, out_hbm,
              acc_sh, idx_v, gbufs, gsems, ssems):
    c = lax.axis_index("c")
    s = lax.axis_index("s")
    stripe = pl.ds(s * (NFP // 16), NFP // 16)
    pltpu.sync_copy(z_hbm, acc_sh.at[stripe])
    pltpu.sync_copy(idx_hbm.at[c, s], idx_v)
    plsc.subcore_barrier()

    def quad(q, carry):
        gd = []
        for b in range(4):
            @pl.when(q > 0)
            def _():
                pltpu.make_async_copy(
                    z1_hbm.at[pl.ds(0, 128)], gbufs[b], ssems[b]).wait()
            gd.append(pltpu.async_copy(
                z1_hbm.at[idx_v.at[4 * q + b, 0]], gbufs[b], gsems[b]))
        for b in range(4):
            gd[b].wait()
            pltpu.async_copy(
                gbufs[b], acc_sh.at[idx_v.at[4 * q + b, 1]], ssems[b],
                add=True)
        return carry

    lax.fori_loop(0, ICH // 4, quad, 0)
    for b in range(4):
        pltpu.make_async_copy(
            z1_hbm.at[pl.ds(0, 128)], gbufs[b], ssems[b]).wait()
    plsc.subcore_barrier()
    pltpu.sync_copy(acc_sh.at[stripe], out_hbm.at[c, stripe])



def kernel(x_0, x_1, adjacency_0, incidence_2_t,
           W0_0, W12_0, W0_1, W12_1,
           lin0_w, lin0_b, lin1_w, lin1_b, lin2_w, lin2_b):
    f32 = jnp.float32
    i32 = jnp.int32

    x0p = jnp.zeros((N0P, D0), f32).at[:N0].set(x_0.astype(f32))
    w12p = jnp.zeros((D1, 8), f32).at[:, :5].set(W12_1.astype(f32))
    l2wp = jnp.zeros((8, 2), f32).at[:5].set(lin2_w.astype(f32))

    ea = 16 * ACH * 128
    arow = jnp.concatenate(
        [adjacency_0[0].astype(i32),
         jnp.full((ea - adjacency_0.shape[1],), N0, i32)]).reshape(16, ACH, 128)
    acol = jnp.concatenate(
        [adjacency_0[1].astype(i32),
         jnp.zeros((ea - adjacency_0.shape[1],), i32)]).reshape(16, ACH, 128)
    aidx = jnp.stack([acol, arow], axis=2)

    ei = 2 * 16 * ICH * 128
    irow = jnp.concatenate(
        [incidence_2_t[0].astype(i32),
         jnp.full((ei - incidence_2_t.shape[1],), NF, i32)]
    ).reshape(2, 16, ICH, 128)
    icol = jnp.concatenate(
        [incidence_2_t[1].astype(i32),
         jnp.zeros((ei - incidence_2_t.shape[1],), i32)]
    ).reshape(2, 16, ICH, 128)
    iidx = jnp.stack([icol, irow], axis=3)

    zeros_a = jnp.zeros((N0P // 16, 64), f32)
    zeros_i = jnp.zeros((NFP // 16, 8), f32)

    z1, cs1 = _x1_pass(x_1.astype(f32), w12p)
    h0 = _mm_split(x0p, W0_0.astype(f32))
    a0 = _adj_spmm(h0, aidx, zeros_a)
    h1 = _relu_mm_split(a0, W0_1.astype(f32))
    a1 = _adj_spmm(h1, aidx, zeros_a)
    facc = _inc_spmm(z1, iidx, zeros_i)

    out = _final_reduce(
        facc, a1, cs1,
        lin0_w.astype(f32), lin0_b.astype(f32).reshape(1, 2),
        lin1_w.astype(f32), lin1_b.astype(f32).reshape(1, 2),
        l2wp, lin2_b.astype(f32).reshape(1, 2))
    return out.reshape(2)

# --- scband reference (transcript-rebuilt; emitter-appended) ---
"""Pipeline reference for scband-network-26749056319568 (READ-ONLY COPY).

The authoritative reference and input builder live on the scoring server;
editing this copy changes nothing except your own understanding.
"""

import jax, jax.numpy as jnp
import numpy as np

N_NODES = 10000
N_EDGE_CELLS = 160000
N_FACES = 160000
D0 = 128
D1 = 128
D2 = 5
NUM_CLASSES = 2


def setup_inputs(seed: int = 0) -> dict:
    key = jax.random.key(seed)
    ks = jax.random.split(key, 16)
    x_0 = jax.random.normal(ks[0], (N_NODES, D0), dtype=jnp.float32)
    x_1 = jax.random.normal(ks[1], (N_EDGE_CELLS, D1), dtype=jnp.float32)
    adjacency_0 = jax.random.randint(ks[2], (2, 320000), 0, N_NODES)
    incidence_2_t = jax.random.randint(ks[3], (2, 200000), 0, N_FACES)
    # CCXN layer weights (n_layers=2): conv_0_to_0 [D0,D0], conv_1_to_2 [D1,D2]
    W0_0 = jax.random.normal(ks[4], (D0, D0), dtype=jnp.float32) * 0.02
    W12_0 = jax.random.normal(ks[5], (D1, D2), dtype=jnp.float32) * 0.02
    W0_1 = jax.random.normal(ks[6], (D0, D0), dtype=jnp.float32) * 0.02
    W12_1 = jax.random.normal(ks[7], (D1, D2), dtype=jnp.float32) * 0.02
    # readout linears
    lin0_w = jax.random.normal(ks[8], (D0, NUM_CLASSES), dtype=jnp.float32) * 0.02
    lin0_b = jnp.zeros((NUM_CLASSES,), dtype=jnp.float32)
    lin1_w = jax.random.normal(ks[9], (D1, NUM_CLASSES), dtype=jnp.float32) * 0.02
    lin1_b = jnp.zeros((NUM_CLASSES,), dtype=jnp.float32)
    lin2_w = jax.random.normal(ks[10], (D2, NUM_CLASSES), dtype=jnp.float32) * 0.02
    lin2_b = jnp.zeros((NUM_CLASSES,), dtype=jnp.float32)
    return {
        "x_0": x_0, "x_1": x_1,
        "adjacency_0": adjacency_0, "incidence_2_t": incidence_2_t,
        "W0_0": W0_0, "W12_0": W12_0, "W0_1": W0_1, "W12_1": W12_1,
        "lin0_w": lin0_w, "lin0_b": lin0_b,
        "lin1_w": lin1_w, "lin1_b": lin1_b,
        "lin2_w": lin2_w, "lin2_b": lin2_b,
    }


def _spmm(idx, m, n_rows):
    # sparse (binary) neighborhood matmul: A @ m, A given as [2, nnz] (row, col) indices
    gathered = jnp.take(m, idx[1], axis=0)
    return jax.ops.segment_sum(gathered, idx[0], num_segments=n_rows)


def _nanmean0(y):
    m = jnp.nanmean(y, axis=0)
    return jnp.where(jnp.isnan(m), 0.0, m)


def reference(x_0, x_1, adjacency_0, incidence_2_t,
              W0_0, W12_0, W0_1, W12_1,
              lin0_w, lin0_b, lin1_w, lin1_b, lin2_w, lin2_b):
    x0 = x_0
    x1 = x_1
    x2 = None
    for (W0, W12) in ((W0_0, W12_0), (W0_1, W12_1)):
        # CCXNLayer: conv_0_to_0 then relu; conv_1_to_2 then relu; x_1 passes through
        x0 = jax.nn.relu(_spmm(adjacency_0, x0 @ W0, N_NODES))
        x2 = jax.nn.relu(_spmm(incidence_2_t, x1 @ W12, N_FACES))
    y0 = x0 @ lin0_w + lin0_b
    y1 = x1 @ lin1_w + lin1_b
    y2 = x2 @ lin2_w + lin2_b
    return _nanmean0(y2) + _nanmean0(y1) + _nanmean0(y0)

if __name__ == "__main__":
    import jax
    _d = setup_inputs()
    print(jax.jit(kernel)(*tuple(_d.values())))

</pallas_src>

<mosaic_0001>
#map = affine_map<(d0, d1) -> (0, 0)>
#map1 = affine_map<(d0, d1) -> (0, 0, 0, 0, 0)>
#map2 = affine_map<(d0, d1) -> (0, 0, 0)>
module attributes {stable_mosaic.version = 14 : i64} {
  func.func @_inc_spmm(%arg0: i32, %arg1: i32, %arg2: memref<160000x8xf32, #tpu.memory_space<hbm>>, %arg3: memref<2x16x52x2x128xi32, #tpu.memory_space<hbm>>, %arg4: memref<10240x8xf32, #tpu.memory_space<hbm>>, %arg5: memref<2x163840x8xf32, #tpu.memory_space<hbm>>, %arg6: memref<163840x8xf32, #tpu.memory_space<vmem_shared>>, %arg7: memref<52x2x128xi32, #tpu.memory_space<vmem>>, %arg8: memref<128x8xf32, #tpu.memory_space<vmem>>, %arg9: memref<128x8xf32, #tpu.memory_space<vmem>>, %arg10: memref<128x8xf32, #tpu.memory_space<vmem>>, %arg11: memref<128x8xf32, #tpu.memory_space<vmem>>, %arg12: memref<!tpu.dma_semaphore, #tpu.memory_space<semaphore_mem>>, %arg13: memref<!tpu.dma_semaphore, #tpu.memory_space<semaphore_mem>>, %arg14: memref<!tpu.dma_semaphore, #tpu.memory_space<semaphore_mem>>, %arg15: memref<!tpu.dma_semaphore, #tpu.memory_space<semaphore_mem>>, %arg16: memref<!tpu.dma_semaphore, #tpu.memory_space<semaphore_mem>>, %arg17: memref<!tpu.dma_semaphore, #tpu.memory_space<semaphore_mem>>, %arg18: memref<!tpu.dma_semaphore, #tpu.memory_space<semaphore_mem>>, %arg19: memref<!tpu.dma_semaphore, #tpu.memory_space<semaphore_mem>>) attributes {dimension_semantics = [#tpu.dimension_semantics<core_parallel>, #tpu.dimension_semantics<subcore_parallel>], iteration_bounds = array<i64: 2, 16>, scalar_prefetch = 0 : i64, scratch_operands = 14 : i64, tpu.core_type = #tpu.core_type<sc_vector_subcore>, window_params = [{transform_indices = #map}, {transform_indices = #map1}, {transform_indices = #map}, {transform_indices = #map2}]} {
    %mul3A = arith.constant 10240 : i32
    %mul3A_0 = arith.muli %arg1, %mul3A : i32
    "tpu.region"() ({
      %run_scoped3A = tpu.sem_alloc : memref<!tpu.dma_semaphore, #tpu.memory_space<semaphore_mem>>
      %dma_start3A = arith.constant 0 : i32
      %dma_start3A_30 = tpu.memref_slice %arg6[%mul3A_0, %dma_start3A] : memref<163840x8xf32, #tpu.memory_space<vmem_shared>> -> memref<10240x8xf32, #tpu.memory_space<vmem_shared>>
      tpu.enqueue_dma source(%arg4 : memref<10240x8xf32, #tpu.memory_space<hbm>>) target(%dma_start3A_30 : memref<10240x8xf32, #tpu.memory_space<vmem_shared>>) target_semaphore(%run_scoped3A : memref<!tpu.dma_semaphore, #tpu.memory_space<semaphore_mem>>)
      %dma_wait3A_31 = arith.constant 0 : i32
      %dma_wait3A_32 = tpu.memref_slice %arg6[%mul3A_0, %dma_wait3A_31] : memref<163840x8xf32, #tpu.memory_space<vmem_shared>> -> memref<10240x8xf32, #tpu.memory_space<vmem_shared>>
      tpu.wait_dma2 semaphore(%run_scoped3A : memref<!tpu.dma_semaphore, #tpu.memory_space<semaphore_mem>>) src(%arg4 : memref<10240x8xf32, #tpu.memory_space<hbm>>) dst(%dma_wait3A_32 : memref<10240x8xf32, #tpu.memory_space<vmem_shared>>)
      tpu.yield
    }) : () -> ()
    "tpu.region"() ({
      %run_scoped3A = tpu.sem_alloc : memref<!tpu.dma_semaphore, #tpu.memory_space<semaphore_mem>>
      %dma_start3A = arith.constant 0 : i32
      %dma_start3A_30 = arith.constant 0 : i32
      %dma_start3A_31 = arith.constant 0 : i32
      %dma_start3A_32 = tpu.memref_slice %arg3[%arg0, %arg1, %dma_start3A, %dma_start3A_30, %dma_start3A_31] : memref<2x16x52x2x128xi32, #tpu.memory_space<hbm>> -> memref<1x1x52x2x128xi32, #tpu.memory_space<hbm>>
      %dma_start3A_33 = tpu.memref_squeeze %dma_start3A_32 : memref<1x1x52x2x128xi32, #tpu.memory_space<hbm>> -> memref<52x2x128xi32, #tpu.memory_space<hbm>>
      %dma_start3A_34 = arith.constant 0 : i32
      %dma_start3A_35 = arith.constant 0 : i32
      %dma_start3A_36 = arith.constant 0 : i32
      %dma_start3A_37 = tpu.memref_slice %arg3[%arg0, %arg1, %dma_start3A_34, %dma_start3A_35, %dma_start3A_36] : memref<2x16x52x2x128xi32, #tpu.memory_space<hbm>> -> memref<1x1x52x2x128xi32, #tpu.memory_space<hbm>>
      %dma_start3A_38 = tpu.memref_squeeze %dma_start3A_37 : memref<1x1x52x2x128xi32, #tpu.memory_space<hbm>> -> memref<52x2x128xi32, #tpu.memory_space<hbm>>
      tpu.enqueue_dma source(%dma_start3A_38 : memref<52x2x128xi32, #tpu.memory_space<hbm>>) target(%arg7 : memref<52x2x128xi32, #tpu.memory_space<vmem>>) target_semaphore(%run_scoped3A : memref<!tpu.dma_semaphore, #tpu.memory_space<semaphore_mem>>)
      %dma_wait3A_39 = arith.constant 0 : i32
      %dma_wait3A_40 = arith.constant 0 : i32
      %dma_wait3A_41 = arith.constant 0 : i32
      %dma_wait3A_42 = tpu.memref_slice %arg3[%arg0, %arg1, %dma_wait3A_39, %dma_wait3A_40, %dma_wait3A_41] : memref<2x16x52x2x128xi32, #tpu.memory_space<hbm>> -> memref<1x1x52x2x128xi32, #tpu.memory_space<hbm>>
      %dma_wait3A_43 = tpu.memref_squeeze %dma_wait3A_42 : memref<1x1x52x2x128xi32, #tpu.memory_space<hbm>> -> memref<52x2x128xi32, #tpu.memory_space<hbm>>
      %dma_wait3A_44 = arith.constant 0 : i32
      %dma_wait3A_45 = arith.constant 0 : i32
      %dma_wait3A_46 = arith.constant 0 : i32
      %dma_wait3A_47 = tpu.memref_slice %arg3[%arg0, %arg1, %dma_wait3A_44, %dma_wait3A_45, %dma_wait3A_46] : memref<2x16x52x2x128xi32, #tpu.memory_space<hbm>> -> memref<1x1x52x2x128xi32, #tpu.memory_space<hbm>>
      %dma_wait3A_48 = tpu.memref_squeeze %dma_wait3A_47 : memref<1x1x52x2x128xi32, #tpu.memory_space<hbm>> -> memref<52x2x128xi32, #tpu.memory_space<hbm>>
      tpu.wait_dma2 semaphore(%run_scoped3A : memref<!tpu.dma_semaphore, #tpu.memory_space<semaphore_mem>>) src(%dma_wait3A_48 : memref<52x2x128xi32, #tpu.memory_space<hbm>>) dst(%arg7 : memref<52x2x128xi32, #tpu.memory_space<vmem>>)
      tpu.yield
    }) : () -> ()
    %barrier3A = arith.constant 0 : index
    tpu.barrier barrier_id(%barrier3A)
    %scan3A = arith.constant 0 : i32
    %scan3A_1 = arith.constant 0 : i32
    %scan3A_2 = arith.constant 13 : i32
    %scan3A_3 = arith.addi %scan3A_1, %scan3A_2 : i32
    %scan3A_4 = arith.constant 1 : i32
    scf.for %scan3A_30 = %scan3A_1 to %scan3A_3 step %scan3A_4  : i32 {
      %gt3A = arith.constant 0 : i32
      %gt3A_31 = arith.cmpi sgt, %scan3A_30, %gt3A : i32
      %convert_element_type3A = arith.extui %gt3A_31 : i1 to i32
      %cond3A = arith.constant 0 : i32
      %cond3A_32 = arith.cmpi ne, %convert_element_type3A, %cond3A : i32
      scf.if %cond3A_32 {
        %dma_wait3A_162 = arith.constant 0 : i32
        %dma_wait3A_163 = arith.constant 0 : i32
        %dma_wait3A_164 = tpu.memref_slice %arg2[%dma_wait3A_162, %dma_wait3A_163] : memref<160000x8xf32, #tpu.memory_space<hbm>> -> memref<128x8xf32, #tpu.memory_space<hbm>>
        %dma_wait3A_165 = arith.constant 0 : i32
        %dma_wait3A_166 = arith.constant 0 : i32
        %dma_wait3A_167 = tpu.memref_slice %arg2[%dma_wait3A_165, %dma_wait3A_166] : memref<160000x8xf32, #tpu.memory_space<hbm>> -> memref<128x8xf32, #tpu.memory_space<hbm>>
        tpu.wait_dma2 semaphore(%arg16 : memref<!tpu.dma_semaphore, #tpu.memory_space<semaphore_mem>>) src(%dma_wait3A_167 : memref<128x8xf32, #tpu.memory_space<hbm>>) dst(%arg8 : memref<128x8xf32, #tpu.memory_space<vmem>>)
      } else {
      }
      %mul3A_33 = arith.constant 4 : i32
      %mul3A_34 = arith.muli %mul3A_33, %scan3A_30 : i32
      %add3A = arith.constant 0 : i32
      %add3A_35 = arith.addi %mul3A_34, %add3A : i32
      %dma_start3A = arith.constant 0 : i32
      %dma_start3A_36 = arith.constant 0 : i32
      %dma_start3A_37 = tpu.memref_slice %arg7[%add3A_35, %dma_start3A, %dma_start3A_36] : memref<52x2x128xi32, #tpu.memory_space<vmem>> -> memref<1x1x128xi32, #tpu.memory_space<vmem>>
      %dma_start3A_38 = tpu.memref_squeeze %dma_start3A_37 : memref<1x1x128xi32, #tpu.memory_space<vmem>> -> memref<128xi32, #tpu.memory_space<vmem>>
      %dma_start3A_39 = arith.constant 0 : i32
      %dma_start3A_40 = arith.constant 0 : i32
      %dma_start3A_41 = tpu.memref_slice %arg2[%dma_start3A_39, %dma_start3A_40] : memref<160000x8xf32, #tpu.memory_space<hbm>> -> memref<160000x8xf32, #tpu.memory_space<hbm>>
      tpu.enqueue_indirect_dma source(%dma_start3A_41 : memref<160000x8xf32, #tpu.memory_space<hbm>>) target(%arg8 : memref<128x8xf32, #tpu.memory_space<vmem>>) offsets(%dma_start3A_38 : memref<128xi32, #tpu.memory_space<vmem>>) semaphore(%arg12 : memref<!tpu.dma_semaphore, #tpu.memory_space<semaphore_mem>>)
      %gt3A_42 = arith.constant 0 : i32
      %gt3A_43 = arith.cmpi sgt, %scan3A_30, %gt3A_42 : i32
      %convert_element_type3A_44 = arith.extui %gt3A_43 : i1 to i32
      %cond3A_45 = arith.constant 0 : i32
      %cond3A_46 = arith.cmpi ne, %convert_element_type3A_44, %cond3A_45 : i32
      scf.if %cond3A_46 {
        %dma_wait3A_162 = arith.constant 0 : i32
        %dma_wait3A_163 = arith.constant 0 : i32
        %dma_wait3A_164 = tpu.memref_slice %arg2[%dma_wait3A_162, %dma_wait3A_163] : memref<160000x8xf32, #tpu.memory_space<hbm>> -> memref<128x8xf32, #tpu.memory_space<hbm>>
        %dma_wait3A_165 = arith.constant 0 : i32
        %dma_wait3A_166 = arith.constant 0 : i32
        %dma_wait3A_167 = tpu.memref_slice %arg2[%dma_wait3A_165, %dma_wait3A_166] : memref<160000x8xf32, #tpu.memory_space<hbm>> -> memref<128x8xf32, #tpu.memory_space<hbm>>
        tpu.wait_dma2 semaphore(%arg17 : memref<!tpu.dma_semaphore, #tpu.memory_space<semaphore_mem>>) src(%dma_wait3A_167 : memref<128x8xf32, #tpu.memory_space<hbm>>) dst(%arg9 : memref<128x8xf32, #tpu.memory_space<vmem>>)
      } else {
      }
      %mul3A_47 = arith.constant 4 : i32
      %mul3A_48 = arith.muli %mul3A_47, %scan3A_30 : i32
      %add3A_49 = arith.constant 1 : i32
      %add3A_50 = arith.addi %mul3A_48, %add3A_49 : i32
      %dma_start3A_51 = arith.constant 0 : i32
      %dma_start3A_52 = arith.constant 0 : i32
      %dma_start3A_53 = tpu.memref_slice %arg7[%add3A_50, %dma_start3A_51, %dma_start3A_52] : memref<52x2x128xi32, #tpu.memory_space<vmem>> -> memref<1x1x128xi32, #tpu.memory_space<vmem>>
      %dma_start3A_54 = tpu.memref_squeeze %dma_start3A_53 : memref<1x1x128xi32, #tpu.memory_space<vmem>> -> memref<128xi32, #tpu.memory_space<vmem>>
      %dma_start3A_55 = arith.constant 0 : i32
      %dma_start3A_56 = arith.constant 0 : i32
      %dma_start3A_57 = tpu.memref_slice %arg2[%dma_start3A_55, %dma_start3A_56] : memref<160000x8xf32, #tpu.memory_space<hbm>> -> memref<160000x8xf32, #tpu.memory_space<hbm>>
      tpu.enqueue_indirect_dma source(%dma_start3A_57 : memref<160000x8xf32, #tpu.memory_space<hbm>>) target(%arg9 : memref<128x8xf32, #tpu.memory_space<vmem>>) offsets(%dma_start3A_54 : memref<128xi32, #tpu.memory_space<vmem>>) semaphore(%arg13 : memref<!tpu.dma_semaphore, #tpu.memory_space<semaphore_mem>>)
      %gt3A_58 = arith.constant 0 : i32
      %gt3A_59 = arith.cmpi sgt, %scan3A_30, %gt3A_58 : i32
      %convert_element_type3A_60 = arith.extui %gt3A_59 : i1 to i32
      %cond3A_61 = arith.constant 0 : i32
      %cond3A_62 = arith.cmpi ne, %convert_element_type3A_60, %cond3A_61 : i32
      scf.if %cond3A_62 {
        %dma_wait3A_162 = arith.constant 0 : i32
        %dma_wait3A_163 = arith.constant 0 : i32
        %dma_wait3A_164 = tpu.memref_slice %arg2[%dma_wait3A_162, %dma_wait3A_163] : memref<160000x8xf32, #tpu.memory_space<hbm>> -> memref<128x8xf32, #tpu.memory_space<hbm>>
        %dma_wait3A_165 = arith.constant 0 : i32
        %dma_wait3A_166 = arith.constant 0 : i32
        %dma_wait3A_167 = tpu.memref_slice %arg2[%dma_wait3A_165, %dma_wait3A_166] : memref<160000x8xf32, #tpu.memory_space<hbm>> -> memref<128x8xf32, #tpu.memory_space<hbm>>
        tpu.wait_dma2 semaphore(%arg18 : memref<!tpu.dma_semaphore, #tpu.memory_space<semaphore_mem>>) src(%dma_wait3A_167 : memref<128x8xf32, #tpu.memory_space<hbm>>) dst(%arg10 : memref<128x8xf32, #tpu.memory_space<vmem>>)
      } else {
      }
      %mul3A_63 = arith.constant 4 : i32
      %mul3A_64 = arith.muli %mul3A_63, %scan3A_30 : i32
      %add3A_65 = arith.constant 2 : i32
      %add3A_66 = arith.addi %mul3A_64, %add3A_65 : i32
      %dma_start3A_67 = arith.constant 0 : i32
      %dma_start3A_68 = arith.constant 0 : i32
      %dma_start3A_69 = tpu.memref_slice %arg7[%add3A_66, %dma_start3A_67, %dma_start3A_68] : memref<52x2x128xi32, #tpu.memory_space<vmem>> -> memref<1x1x128xi32, #tpu.memory_space<vmem>>
      %dma_start3A_70 = tpu.memref_squeeze %dma_start3A_69 : memref<1x1x128xi32, #tpu.memory_space<vmem>> -> memref<128xi32, #tpu.memory_space<vmem>>
      %dma_start3A_71 = arith.constant 0 : i32
      %dma_start3A_72 = arith.constant 0 : i32
      %dma_start3A_73 = tpu.memref_slice %arg2[%dma_start3A_71, %dma_start3A_72] : memref<160000x8xf32, #tpu.memory_space<hbm>> -> memref<160000x8xf32, #tpu.memory_space<hbm>>
      tpu.enqueue_indirect_dma source(%dma_start3A_73 : memref<160000x8xf32, #tpu.memory_space<hbm>>) target(%arg10 : memref<128x8xf32, #tpu.memory_space<vmem>>) offsets(%dma_start3A_70 : memref<128xi32, #tpu.memory_space<vmem>>) semaphore(%arg14 : memref<!tpu.dma_semaphore, #tpu.memory_space<semaphore_mem>>)
      %gt3A_74 = arith.constant 0 : i32
      %gt3A_75 = arith.cmpi sgt, %scan3A_30, %gt3A_74 : i32
      %convert_element_type3A_76 = arith.extui %gt3A_75 : i1 to i32
      %cond3A_77 = arith.constant 0 : i32
      %cond3A_78 = arith.cmpi ne, %convert_element_type3A_76, %cond3A_77 : i32
      scf.if %cond3A_78 {
        %dma_wait3A_162 = arith.constant 0 : i32
        %dma_wait3A_163 = arith.constant 0 : i32
        %dma_wait3A_164 = tpu.memref_slice %arg2[%dma_wait3A_162, %dma_wait3A_163] : memref<160000x8xf32, #tpu.memory_space<hbm>> -> memref<128x8xf32, #tpu.memory_space<hbm>>
        %dma_wait3A_165 = arith.constant 0 : i32
        %dma_wait3A_166 = arith.constant 0 : i32
        %dma_wait3A_167 = tpu.memref_slice %arg2[%dma_wait3A_165, %dma_wait3A_166] : memref<160000x8xf32, #tpu.memory_space<hbm>> -> memref<128x8xf32, #tpu.memory_space<hbm>>
        tpu.wait_dma2 semaphore(%arg19 : memref<!tpu.dma_semaphore, #tpu.memory_space<semaphore_mem>>) src(%dma_wait3A_167 : memref<128x8xf32, #tpu.memory_space<hbm>>) dst(%arg11 : memref<128x8xf32, #tpu.memory_space<vmem>>)
      } else {
      }
      %mul3A_79 = arith.constant 4 : i32
      %mul3A_80 = arith.muli %mul3A_79, %scan3A_30 : i32
      %add3A_81 = arith.constant 3 : i32
      %add3A_82 = arith.addi %mul3A_80, %add3A_81 : i32
      %dma_start3A_83 = arith.constant 0 : i32
      %dma_start3A_84 = arith.constant 0 : i32
      %dma_start3A_85 = tpu.memref_slice %arg7[%add3A_82, %dma_start3A_83, %dma_start3A_84] : memref<52x2x128xi32, #tpu.memory_space<vmem>> -> memref<1x1x128xi32, #tpu.memory_space<vmem>>
      %dma_start3A_86 = tpu.memref_squeeze %dma_start3A_85 : memref<1x1x128xi32, #tpu.memory_space<vmem>> -> memref<128xi32, #tpu.memory_space<vmem>>
      %dma_start3A_87 = arith.constant 0 : i32
      %dma_start3A_88 = arith.constant 0 : i32
      %dma_start3A_89 = tpu.memref_slice %arg2[%dma_start3A_87, %dma_start3A_88] : memref<160000x8xf32, #tpu.memory_space<hbm>> -> memref<160000x8xf32, #tpu.memory_space<hbm>>
      tpu.enqueue_indirect_dma source(%dma_start3A_89 : memref<160000x8xf32, #tpu.memory_space<hbm>>) target(%arg11 : memref<128x8xf32, #tpu.memory_space<vmem>>) offsets(%dma_start3A_86 : memref<128xi32, #tpu.memory_space<vmem>>) semaphore(%arg15 : memref<!tpu.dma_semaphore, #tpu.memory_space<semaphore_mem>>)
      %dma_wait3A_90 = arith.constant 0 : i32
      %dma_wait3A_91 = arith.constant 0 : i32
      %dma_wait3A_92 = tpu.memref_slice %arg7[%add3A_35, %dma_wait3A_90, %dma_wait3A_91] : memref<52x2x128xi32, #tpu.memory_space<vmem>> -> memref<1x1x128xi32, #tpu.memory_space<vmem>>
      %dma_wait3A_93 = tpu.memref_squeeze %dma_wait3A_92 : memref<1x1x128xi32, #tpu.memory_space<vmem>> -> memref<128xi32, #tpu.memory_space<vmem>>
      %dma_wait3A_94 = arith.constant 0 : i32
      %dma_wait3A_95 = arith.constant 0 : i32
      %dma_wait3A_96 = tpu.memref_slice %arg2[%dma_wait3A_94, %dma_wait3A_95] : memref<160000x8xf32, #tpu.memory_space<hbm>> -> memref<160000x8xf32, #tpu.memory_space<hbm>>
      tpu.wait_indirect_dma semaphore(%arg12 : memref<!tpu.dma_semaphore, #tpu.memory_space<semaphore_mem>>) src(%dma_wait3A_96 : memref<160000x8xf32, #tpu.memory_space<hbm>>) dst(%arg8 : memref<128x8xf32, #tpu.memory_space<vmem>>)
      %mul3A_97 = arith.constant 4 : i32
      %mul3A_98 = arith.muli %mul3A_97, %scan3A_30 : i32
      %add3A_99 = arith.constant 0 : i32
      %add3A_100 = arith.addi %mul3A_98, %add3A_99 : i32
      %dma_start3A_101 = arith.constant 1 : i32
      %dma_start3A_102 = arith.constant 0 : i32
      %dma_start3A_103 = tpu.memref_slice %arg7[%add3A_100, %dma_start3A_101, %dma_start3A_102] : memref<52x2x128xi32, #tpu.memory_space<vmem>> -> memref<1x1x128xi32, #tpu.memory_space<vmem>>
      %dma_start3A_104 = tpu.memref_squeeze %dma_start3A_103 : memref<1x1x128xi32, #tpu.memory_space<vmem>> -> memref<128xi32, #tpu.memory_space<vmem>>
      %dma_start3A_105 = arith.constant 0 : i32
      %dma_start3A_106 = arith.constant 0 : i32
      %dma_start3A_107 = tpu.memref_slice %arg6[%dma_start3A_105, %dma_start3A_106] : memref<163840x8xf32, #tpu.memory_space<vmem_shared>> -> memref<163840x8xf32, #tpu.memory_space<vmem_shared>>
      tpu.enqueue_indirect_dma source(%arg8 : memref<128x8xf32, #tpu.memory_space<vmem>>) target(%dma_start3A_107 : memref<163840x8xf32, #tpu.memory_space<vmem_shared>>) offsets(%dma_start3A_104 : memref<128xi32, #tpu.memory_space<vmem>>) semaphore(%arg16 : memref<!tpu.dma_semaphore, #tpu.memory_space<semaphore_mem>>) {add = true}
      %dma_wait3A_108 = arith.constant 0 : i32
      %dma_wait3A_109 = arith.constant 0 : i32
      %dma_wait3A_110 = tpu.memref_slice %arg7[%add3A_50, %dma_wait3A_108, %dma_wait3A_109] : memref<52x2x128xi32, #tpu.memory_space<vmem>> -> memref<1x1x128xi32, #tpu.memory_space<vmem>>
      %dma_wait3A_111 = tpu.memref_squeeze %dma_wait3A_110 : memref<1x1x128xi32, #tpu.memory_space<vmem>> -> memref<128xi32, #tpu.memory_space<vmem>>
      %dma_wait3A_112 = arith.constant 0 : i32
      %dma_wait3A_113 = arith.constant 0 : i32
      %dma_wait3A_114 = tpu.memref_slice %arg2[%dma_wait3A_112, %dma_wait3A_113] : memref<160000x8xf32, #tpu.memory_space<hbm>> -> memref<160000x8xf32, #tpu.memory_space<hbm>>
      tpu.wait_indirect_dma semaphore(%arg13 : memref<!tpu.dma_semaphore, #tpu.memory_space<semaphore_mem>>) src(%dma_wait3A_114 : memref<160000x8xf32, #tpu.memory_space<hbm>>) dst(%arg9 : memref<128x8xf32, #tpu.memory_space<vmem>>)
      %mul3A_115 = arith.constant 4 : i32
      %mul3A_116 = arith.muli %mul3A_115, %scan3A_30 : i32
      %add3A_117 = arith.constant 1 : i32
      %add3A_118 = arith.addi %mul3A_116, %add3A_117 : i32
      %dma_start3A_119 = arith.constant 1 : i32
      %dma_start3A_120 = arith.constant 0 : i32
      %dma_start3A_121 = tpu.memref_slice %arg7[%add3A_118, %dma_start3A_119, %dma_start3A_120] : memref<52x2x128xi32, #tpu.memory_space<vmem>> -> memref<1x1x128xi32, #tpu.memory_space<vmem>>
      %dma_start3A_122 = tpu.memref_squeeze %dma_start3A_121 : memref<1x1x128xi32, #tpu.memory_space<vmem>> -> memref<128xi32, #tpu.memory_space<vmem>>
      %dma_start3A_123 = arith.constant 0 : i32
      %dma_start3A_124 = arith.constant 0 : i32
      %dma_start3A_125 = tpu.memref_slice %arg6[%dma_start3A_123, %dma_start3A_124] : memref<163840x8xf32, #tpu.memory_space<vmem_shared>> -> memref<163840x8xf32, #tpu.memory_space<vmem_shared>>
      tpu.enqueue_indirect_dma source(%arg9 : memref<128x8xf32, #tpu.memory_space<vmem>>) target(%dma_start3A_125 : memref<163840x8xf32, #tpu.memory_space<vmem_shared>>) offsets(%dma_start3A_122 : memref<128xi32, #tpu.memory_space<vmem>>) semaphore(%arg17 : memref<!tpu.dma_semaphore, #tpu.memory_space<semaphore_mem>>) {add = true}
      %dma_wait3A_126 = arith.constant 0 : i32
      %dma_wait3A_127 = arith.constant 0 : i32
      %dma_wait3A_128 = tpu.memref_slice %arg7[%add3A_66, %dma_wait3A_126, %dma_wait3A_127] : memref<52x2x128xi32, #tpu.memory_space<vmem>> -> memref<1x1x128xi32, #tpu.memory_space<vmem>>
      %dma_wait3A_129 = tpu.memref_squeeze %dma_wait3A_128 : memref<1x1x128xi32, #tpu.memory_space<vmem>> -> memref<128xi32, #tpu.memory_space<vmem>>
      %dma_wait3A_130 = arith.constant 0 : i32
      %dma_wait3A_131 = arith.constant 0 : i32
      %dma_wait3A_132 = tpu.memref_slice %arg2[%dma_wait3A_130, %dma_wait3A_131] : memref<160000x8xf32, #tpu.memory_space<hbm>> -> memref<160000x8xf32, #tpu.memory_space<hbm>>
      tpu.wait_indirect_dma semaphore(%arg14 : memref<!tpu.dma_semaphore, #tpu.memory_space<semaphore_mem>>) src(%dma_wait3A_132 : memref<160000x8xf32, #tpu.memory_space<hbm>>) dst(%arg10 : memref<128x8xf32, #tpu.memory_space<vmem>>)
      %mul3A_133 = arith.constant 4 : i32
      %mul3A_134 = arith.muli %mul3A_133, %scan3A_30 : i32
      %add3A_135 = arith.constant 2 : i32
      %add3A_136 = arith.addi %mul3A_134, %add3A_135 : i32
      %dma_start3A_137 = arith.constant 1 : i32
      %dma_start3A_138 = arith.constant 0 : i32
      %dma_start3A_139 = tpu.memref_slice %arg7[%add3A_136, %dma_start3A_137, %dma_start3A_138] : memref<52x2x128xi32, #tpu.memory_space<vmem>> -> memref<1x1x128xi32, #tpu.memory_space<vmem>>
      %dma_start3A_140 = tpu.memref_squeeze %dma_start3A_139 : memref<1x1x128xi32, #tpu.memory_space<vmem>> -> memref<128xi32, #tpu.memory_space<vmem>>
      %dma_start3A_141 = arith.constant 0 : i32
      %dma_start3A_142 = arith.constant 0 : i32
      %dma_start3A_143 = tpu.memref_slice %arg6[%dma_start3A_141, %dma_start3A_142] : memref<163840x8xf32, #tpu.memory_space<vmem_shared>> -> memref<163840x8xf32, #tpu.memory_space<vmem_shared>>
      tpu.enqueue_indirect_dma source(%arg10 : memref<128x8xf32, #tpu.memory_space<vmem>>) target(%dma_start3A_143 : memref<163840x8xf32, #tpu.memory_space<vmem_shared>>) offsets(%dma_start3A_140 : memref<128xi32, #tpu.memory_space<vmem>>) semaphore(%arg18 : memref<!tpu.dma_semaphore, #tpu.memory_space<semaphore_mem>>) {add = true}
      %dma_wait3A_144 = arith.constant 0 : i32
      %dma_wait3A_145 = arith.constant 0 : i32
      %dma_wait3A_146 = tpu.memref_slice %arg7[%add3A_82, %dma_wait3A_144, %dma_wait3A_145] : memref<52x2x128xi32, #tpu.memory_space<vmem>> -> memref<1x1x128xi32, #tpu.memory_space<vmem>>
      %dma_wait3A_147 = tpu.memref_squeeze %dma_wait3A_146 : memref<1x1x128xi32, #tpu.memory_space<vmem>> -> memref<128xi32, #tpu.memory_space<vmem>>
      %dma_wait3A_148 = arith.constant 0 : i32
      %dma_wait3A_149 = arith.constant 0 : i32
      %dma_wait3A_150 = tpu.memref_slice %arg2[%dma_wait3A_148, %dma_wait3A_149] : memref<160000x8xf32, #tpu.memory_space<hbm>> -> memref<160000x8xf32, #tpu.memory_space<hbm>>
      tpu.wait_indirect_dma semaphore(%arg15 : memref<!tpu.dma_semaphore, #tpu.memory_space<semaphore_mem>>) src(%dma_wait3A_150 : memref<160000x8xf32, #tpu.memory_space<hbm>>) dst(%arg11 : memref<128x8xf32, #tpu.memory_space<vmem>>)
      %mul3A_151 = arith.constant 4 : i32
      %mul3A_152 = arith.muli %mul3A_151, %scan3A_30 : i32
      %add3A_153 = arith.constant 3 : i32
      %add3A_154 = arith.addi %mul3A_152, %add3A_153 : i32
      %dma_start3A_155 = arith.constant 1 : i32
      %dma_start3A_156 = arith.constant 0 : i32
      %dma_start3A_157 = tpu.memref_slice %arg7[%add3A_154, %dma_start3A_155, %dma_start3A_156] : memref<52x2x128xi32, #tpu.memory_space<vmem>> -> memref<1x1x128xi32, #tpu.memory_space<vmem>>
      %dma_start3A_158 = tpu.memref_squeeze %dma_start3A_157 : memref<1x1x128xi32, #tpu.memory_space<vmem>> -> memref<128xi32, #tpu.memory_space<vmem>>
      %dma_start3A_159 = arith.constant 0 : i32
      %dma_start3A_160 = arith.constant 0 : i32
      %dma_start3A_161 = tpu.memref_slice %arg6[%dma_start3A_159, %dma_start3A_160] : memref<163840x8xf32, #tpu.memory_space<vmem_shared>> -> memref<163840x8xf32, #tpu.memory_space<vmem_shared>>
      tpu.enqueue_indirect_dma source(%arg11 : memref<128x8xf32, #tpu.memory_space<vmem>>) target(%dma_start3A_161 : memref<163840x8xf32, #tpu.memory_space<vmem_shared>>) offsets(%dma_start3A_158 : memref<128xi32, #tpu.memory_space<vmem>>) semaphore(%arg19 : memref<!tpu.dma_semaphore, #tpu.memory_space<semaphore_mem>>) {add = true}
    }
    %scan3A_5 = arith.constant 13 : i32
    %dma_wait3A = arith.constant 0 : i32
    %dma_wait3A_6 = arith.constant 0 : i32
    %dma_wait3A_7 = tpu.memref_slice %arg2[%dma_wait3A, %dma_wait3A_6] : memref<160000x8xf32, #tpu.memory_space<hbm>> -> memref<128x8xf32, #tpu.memory_space<hbm>>
    %dma_wait3A_8 = arith.constant 0 : i32
    %dma_wait3A_9 = arith.constant 0 : i32
    %dma_wait3A_10 = tpu.memref_slice %arg2[%dma_wait3A_8, %dma_wait3A_9] : memref<160000x8xf32, #tpu.memory_space<hbm>> -> memref<128x8xf32, #tpu.memory_space<hbm>>
    tpu.wait_dma2 semaphore(%arg16 : memref<!tpu.dma_semaphore, #tpu.memory_space<semaphore_mem>>) src(%dma_wait3A_10 : memref<128x8xf32, #tpu.memory_space<hbm>>) dst(%arg8 : memref<128x8xf32, #tpu.memory_space<vmem>>)
    %dma_wait3A_11 = arith.constant 0 : i32
    %dma_wait3A_12 = arith.constant 0 : i32
    %dma_wait3A_13 = tpu.memref_slice %arg2[%dma_wait3A_11, %dma_wait3A_12] : memref<160000x8xf32, #tpu.memory_space<hbm>> -> memref<128x8xf32, #tpu.memory_space<hbm>>
    %dma_wait3A_14 = arith.constant 0 : i32
    %dma_wait3A_15 = arith.constant 0 : i32
    %dma_wait3A_16 = tpu.memref_slice %arg2[%dma_wait3A_14, %dma_wait3A_15] : memref<160000x8xf32, #tpu.memory_space<hbm>> -> memref<128x8xf32, #tpu.memory_space<hbm>>
    tpu.wait_dma2 semaphore(%arg17 : memref<!tpu.dma_semaphore, #tpu.memory_space<semaphore_mem>>) src(%dma_wait3A_16 : memref<128x8xf32, #tpu.memory_space<hbm>>) dst(%arg9 : memref<128x8xf32, #tpu.memory_space<vmem>>)
    %dma_wait3A_17 = arith.constant 0 : i32
    %dma_wait3A_18 = arith.constant 0 : i32
    %dma_wait3A_19 = tpu.memref_slice %arg2[%dma_wait3A_17, %dma_wait3A_18] : memref<160000x8xf32, #tpu.memory_space<hbm>> -> memref<128x8xf32, #tpu.memory_space<hbm>>
    %dma_wait3A_20 = arith.constant 0 : i32
    %dma_wait3A_21 = arith.constant 0 : i32
    %dma_wait3A_22 = tpu.memref_slice %arg2[%dma_wait3A_20, %dma_wait3A_21] : memref<160000x8xf32, #tpu.memory_space<hbm>> -> memref<128x8xf32, #tpu.memory_space<hbm>>
    tpu.wait_dma2 semaphore(%arg18 : memref<!tpu.dma_semaphore, #tpu.memory_space<semaphore_mem>>) src(%dma_wait3A_22 : memref<128x8xf32, #tpu.memory_space<hbm>>) dst(%arg10 : memref<128x8xf32, #tpu.memory_space<vmem>>)
    %dma_wait3A_23 = arith.constant 0 : i32
    %dma_wait3A_24 = arith.constant 0 : i32
    %dma_wait3A_25 = tpu.memref_slice %arg2[%dma_wait3A_23, %dma_wait3A_24] : memref<160000x8xf32, #tpu.memory_space<hbm>> -> memref<128x8xf32, #tpu.memory_space<hbm>>
    %dma_wait3A_26 = arith.constant 0 : i32
    %dma_wait3A_27 = arith.constant 0 : i32
    %dma_wait3A_28 = tpu.memref_slice %arg2[%dma_wait3A_26, %dma_wait3A_27] : memref<160000x8xf32, #tpu.memory_space<hbm>> -> memref<128x8xf32, #tpu.memory_space<hbm>>
    tpu.wait_dma2 semaphore(%arg19 : memref<!tpu.dma_semaphore, #tpu.memory_space<semaphore_mem>>) src(%dma_wait3A_28 : memref<128x8xf32, #tpu.memory_space<hbm>>) dst(%arg11 : memref<128x8xf32, #tpu.memory_space<vmem>>)
    %barrier3A_29 = arith.constant 0 : index
    tpu.barrier barrier_id(%barrier3A_29)
    "tpu.region"() ({
      %run_scoped3A = tpu.sem_alloc : memref<!tpu.dma_semaphore, #tpu.memory_space<semaphore_mem>>
      %dma_start3A = arith.constant 0 : i32
      %dma_start3A_30 = tpu.memref_slice %arg5[%arg0, %mul3A_0, %dma_start3A] : memref<2x163840x8xf32, #tpu.memory_space<hbm>> -> memref<1x10240x8xf32, #tpu.memory_space<hbm>>
      %dma_start3A_31 = tpu.memref_squeeze %dma_start3A_30 : memref<1x10240x8xf32, #tpu.memory_space<hbm>> -> memref<10240x8xf32, #tpu.memory_space<hbm>>
      %dma_start3A_32 = arith.constant 0 : i32
      %dma_start3A_33 = tpu.memref_slice %arg6[%mul3A_0, %dma_start3A_32] : memref<163840x8xf32, #tpu.memory_space<vmem_shared>> -> memref<10240x8xf32, #tpu.memory_space<vmem_shared>>
      tpu.enqueue_dma source(%dma_start3A_33 : memref<10240x8xf32, #tpu.memory_space<vmem_shared>>) target(%dma_start3A_31 : memref<10240x8xf32, #tpu.memory_space<hbm>>) target_semaphore(%run_scoped3A : memref<!tpu.dma_semaphore, #tpu.memory_space<semaphore_mem>>)
      %dma_wait3A_34 = arith.constant 0 : i32
      %dma_wait3A_35 = tpu.memref_slice %arg5[%arg0, %mul3A_0, %dma_wait3A_34] : memref<2x163840x8xf32, #tpu.memory_space<hbm>> -> memref<1x10240x8xf32, #tpu.memory_space<hbm>>
      %dma_wait3A_36 = tpu.memref_squeeze %dma_wait3A_35 : memref<1x10240x8xf32, #tpu.memory_space<hbm>> -> memref<10240x8xf32, #tpu.memory_space<hbm>>
      %dma_wait3A_37 = arith.constant 0 : i32
      %dma_wait3A_38 = tpu.memref_slice %arg6[%mul3A_0, %dma_wait3A_37] : memref<163840x8xf32, #tpu.memory_space<vmem_shared>> -> memref<10240x8xf32, #tpu.memory_space<vmem_shared>>
      tpu.wait_dma2 semaphore(%run_scoped3A : memref<!tpu.dma_semaphore, #tpu.memory_space<semaphore_mem>>) src(%dma_wait3A_38 : memref<10240x8xf32, #tpu.memory_space<vmem_shared>>) dst(%dma_wait3A_36 : memref<10240x8xf32, #tpu.memory_space<hbm>>)
      tpu.yield
    }) : () -> ()
    return
  }
}

#map = affine_map<(d0, d1) -> (0, 0, 0)>
#map1 = affine_map<(d0, d1) -> (0, 0, 0, 0)>
#map2 = affine_map<(d0, d1) -> (0, 0)>
module attributes {stable_mosaic.version = 14 : i64} {
  func.func @_adj_spmm(%arg0: i32, %arg1: i32, %arg2: memref<2x10240x64xf32, #tpu.memory_space<hbm>>, %arg3: memref<16x160x2x128xi32, #tpu.memory_space<hbm>>, %arg4: memref<640x64xf32, #tpu.memory_space<hbm>>, %arg5: memref<2x10240x64xf32, #tpu.memory_space<hbm>>, %arg6: memref<10240x64xf32, #tpu.memory_space<vmem_shared>>, %arg7: memref<10240x64xf32, #tpu.memory_space<vmem_shared>>, %arg8: memref<40x2x128xi32, #tpu.memory_space<vmem>>, %arg9: memref<128x64xf32, #tpu.memory_space<vmem>>, %arg10: memref<128x64xf32, #tpu.memory_space<vmem>>, %arg11: memref<128x64xf32, #tpu.memory_space<vmem>>, %arg12: memref<128x64xf32, #tpu.memory_space<vmem>>, %arg13: memref<!tpu.dma_semaphore, #tpu.memory_space<semaphore_mem>>, %arg14: memref<!tpu.dma_semaphore, #tpu.memory_space<semaphore_mem>>, %arg15: memref<!tpu.dma_semaphore, #tpu.memory_space<semaphore_mem>>, %arg16: memref<!tpu.dma_semaphore, #tpu.memory_space<semaphore_mem>>, %arg17: memref<!tpu.dma_semaphore, #tpu.memory_space<semaphore_mem>>, %arg18: memref<!tpu.dma_semaphore, #tpu.memory_space<semaphore_mem>>, %arg19: memref<!tpu.dma_semaphore, #tpu.memory_space<semaphore_mem>>, %arg20: memref<!tpu.dma_semaphore, #tpu.memory_space<semaphore_mem>>) attributes {dimension_semantics = [#tpu.dimension_semantics<core_parallel>, #tpu.dimension_semantics<subcore_parallel>], iteration_bounds = array<i64: 2, 16>, scalar_prefetch = 0 : i64, scratch_operands = 15 : i64, tpu.core_type = #tpu.core_type<sc_vector_subcore>, window_params = [{transform_indices = #map}, {transform_indices = #map1}, {transform_indices = #map2}, {transform_indices = #map}]} {
    %mul3A = arith.constant 640 : i32
    %mul3A_0 = arith.muli %arg1, %mul3A : i32
    "tpu.region"() ({
      %run_scoped3A = tpu.sem_alloc : memref<!tpu.dma_semaphore, #tpu.memory_space<semaphore_mem>>
      %dma_start3A = arith.constant 0 : i32
      %dma_start3A_7 = tpu.memref_slice %arg6[%mul3A_0, %dma_start3A] : memref<10240x64xf32, #tpu.memory_space<vmem_shared>> -> memref<640x64xf32, #tpu.memory_space<vmem_shared>>
      %dma_start3A_8 = arith.constant 0 : i32
      %dma_start3A_9 = tpu.memref_slice %arg2[%arg0, %mul3A_0, %dma_start3A_8] : memref<2x10240x64xf32, #tpu.memory_space<hbm>> -> memref<1x640x64xf32, #tpu.memory_space<hbm>>
      %dma_start3A_10 = tpu.memref_squeeze %dma_start3A_9 : memref<1x640x64xf32, #tpu.memory_space<hbm>> -> memref<640x64xf32, #tpu.memory_space<hbm>>
      tpu.enqueue_dma source(%dma_start3A_10 : memref<640x64xf32, #tpu.memory_space<hbm>>) target(%dma_start3A_7 : memref<640x64xf32, #tpu.memory_space<vmem_shared>>) target_semaphore(%run_scoped3A : memref<!tpu.dma_semaphore, #tpu.memory_space<semaphore_mem>>)
      %dma_wait3A = arith.constant 0 : i32
      %dma_wait3A_11 = tpu.memref_slice %arg6[%mul3A_0, %dma_wait3A] : memref<10240x64xf32, #tpu.memory_space<vmem_shared>> -> memref<640x64xf32, #tpu.memory_space<vmem_shared>>
      %dma_wait3A_12 = arith.constant 0 : i32
      %dma_wait3A_13 = tpu.memref_slice %arg2[%arg0, %mul3A_0, %dma_wait3A_12] : memref<2x10240x64xf32, #tpu.memory_space<hbm>> -> memref<1x640x64xf32, #tpu.memory_space<hbm>>
      %dma_wait3A_14 = tpu.memref_squeeze %dma_wait3A_13 : memref<1x640x64xf32, #tpu.memory_space<hbm>> -> memref<640x64xf32, #tpu.memory_space<hbm>>
      tpu.wait_dma2 semaphore(%run_scoped3A : memref<!tpu.dma_semaphore, #tpu.memory_space<semaphore_mem>>) src(%dma_wait3A_14 : memref<640x64xf32, #tpu.memory_space<hbm>>) dst(%dma_wait3A_11 : memref<640x64xf32, #tpu.memory_space<vmem_shared>>)
      tpu.yield
    }) : () -> ()
    "tpu.region"() ({
      %run_scoped3A = tpu.sem_alloc : memref<!tpu.dma_semaphore, #tpu.memory_space<semaphore_mem>>
      %dma_start3A = arith.constant 0 : i32
      %dma_start3A_7 = tpu.memref_slice %arg7[%mul3A_0, %dma_start3A] : memref<10240x64xf32, #tpu.memory_space<vmem_shared>> -> memref<640x64xf32, #tpu.memory_space<vmem_shared>>
      tpu.enqueue_dma source(%arg4 : memref<640x64xf32, #tpu.memory_space<hbm>>) target(%dma_start3A_7 : memref<640x64xf32, #tpu.memory_space<vmem_shared>>) target_semaphore(%run_scoped3A : memref<!tpu.dma_semaphore, #tpu.memory_space<semaphore_mem>>)
      %dma_wait3A = arith.constant 0 : i32
      %dma_wait3A_8 = tpu.memref_slice %arg7[%mul3A_0, %dma_wait3A] : memref<10240x64xf32, #tpu.memory_space<vmem_shared>> -> memref<640x64xf32, #tpu.memory_space<vmem_shared>>
      tpu.wait_dma2 semaphore(%run_scoped3A : memref<!tpu.dma_semaphore, #tpu.memory_space<semaphore_mem>>) src(%arg4 : memref<640x64xf32, #tpu.memory_space<hbm>>) dst(%dma_wait3A_8 : memref<640x64xf32, #tpu.memory_space<vmem_shared>>)
      tpu.yield
    }) : () -> ()
    %barrier3A = arith.constant 0 : index
    tpu.barrier barrier_id(%barrier3A)
    %scan3A = arith.constant 0 : i32
    %scan3A_1 = arith.constant 0 : i32
    %scan3A_2 = arith.constant 4 : i32
    %scan3A_3 = arith.addi %scan3A_1, %scan3A_2 : i32
    %scan3A_4 = arith.constant 1 : i32
    scf.for %scan3A_7 = %scan3A_1 to %scan3A_3 step %scan3A_4  : i32 {
      %mul3A_8 = arith.constant 40 : i32
      %mul3A_9 = arith.muli %scan3A_7, %mul3A_8 : i32
      "tpu.region"() ({
        %run_scoped3A = tpu.sem_alloc : memref<!tpu.dma_semaphore, #tpu.memory_space<semaphore_mem>>
        %dma_start3A = arith.constant 0 : i32
        %dma_start3A_16 = arith.constant 0 : i32
        %dma_start3A_17 = tpu.memref_slice %arg3[%arg1, %mul3A_9, %dma_start3A, %dma_start3A_16] : memref<16x160x2x128xi32, #tpu.memory_space<hbm>> -> memref<1x40x2x128xi32, #tpu.memory_space<hbm>>
        %dma_start3A_18 = tpu.memref_squeeze %dma_start3A_17 : memref<1x40x2x128xi32, #tpu.memory_space<hbm>> -> memref<40x2x128xi32, #tpu.memory_space<hbm>>
        %dma_start3A_19 = arith.constant 0 : i32
        %dma_start3A_20 = arith.constant 0 : i32
        %dma_start3A_21 = tpu.memref_slice %arg3[%arg1, %mul3A_9, %dma_start3A_19, %dma_start3A_20] : memref<16x160x2x128xi32, #tpu.memory_space<hbm>> -> memref<1x40x2x128xi32, #tpu.memory_space<hbm>>
        %dma_start3A_22 = tpu.memref_squeeze %dma_start3A_21 : memref<1x40x2x128xi32, #tpu.memory_space<hbm>> -> memref<40x2x128xi32, #tpu.memory_space<hbm>>
        tpu.enqueue_dma source(%dma_start3A_22 : memref<40x2x128xi32, #tpu.memory_space<hbm>>) target(%arg8 : memref<40x2x128xi32, #tpu.memory_space<vmem>>) target_semaphore(%run_scoped3A : memref<!tpu.dma_semaphore, #tpu.memory_space<semaphore_mem>>)
        %dma_wait3A = arith.constant 0 : i32
        %dma_wait3A_23 = arith.constant 0 : i32
        %dma_wait3A_24 = tpu.memref_slice %arg3[%arg1, %mul3A_9, %dma_wait3A, %dma_wait3A_23] : memref<16x160x2x128xi32, #tpu.memory_space<hbm>> -> memref<1x40x2x128xi32, #tpu.memory_space<hbm>>
        %dma_wait3A_25 = tpu.memref_squeeze %dma_wait3A_24 : memref<1x40x2x128xi32, #tpu.memory_space<hbm>> -> memref<40x2x128xi32, #tpu.memory_space<hbm>>
        %dma_wait3A_26 = arith.constant 0 : i32
        %dma_wait3A_27 = arith.constant 0 : i32
        %dma_wait3A_28 = tpu.memref_slice %arg3[%arg1, %mul3A_9, %dma_wait3A_26, %dma_wait3A_27] : memref<16x160x2x128xi32, #tpu.memory_space<hbm>> -> memref<1x40x2x128xi32, #tpu.memory_space<hbm>>
        %dma_wait3A_29 = tpu.memref_squeeze %dma_wait3A_28 : memref<1x40x2x128xi32, #tpu.memory_space<hbm>> -> memref<40x2x128xi32, #tpu.memory_space<hbm>>
        tpu.wait_dma2 semaphore(%run_scoped3A : memref<!tpu.dma_semaphore, #tpu.memory_space<semaphore_mem>>) src(%dma_wait3A_29 : memref<40x2x128xi32, #tpu.memory_space<hbm>>) dst(%arg8 : memref<40x2x128xi32, #tpu.memory_space<vmem>>)
        tpu.yield
      }) : () -> ()
      %scan3A_10 = arith.constant 0 : i32
      %scan3A_11 = arith.constant 0 : i32
      %scan3A_12 = arith.constant 10 : i32
      %scan3A_13 = arith.addi %scan3A_11, %scan3A_12 : i32
      %scan3A_14 = arith.constant 1 : i32
      scf.for %scan3A_16 = %scan3A_11 to %scan3A_13 step %scan3A_14  : i32 {
        %mul3A_17 = arith.constant 4 : i32
        %mul3A_18 = arith.muli %mul3A_17, %scan3A_16 : i32
        %add3A = arith.constant 0 : i32
        %add3A_19 = arith.addi %mul3A_18, %add3A : i32
        %dma_start3A = arith.constant 0 : i32
        %dma_start3A_20 = arith.constant 0 : i32
        %dma_start3A_21 = tpu.memref_slice %arg8[%add3A_19, %dma_start3A, %dma_start3A_20] : memref<40x2x128xi32, #tpu.memory_space<vmem>> -> memref<1x1x128xi32, #tpu.memory_space<vmem>>
        %dma_start3A_22 = tpu.memref_squeeze %dma_start3A_21 : memref<1x1x128xi32, #tpu.memory_space<vmem>> -> memref<128xi32, #tpu.memory_space<vmem>>
        %dma_start3A_23 = arith.constant 0 : i32
        %dma_start3A_24 = arith.constant 0 : i32
        %dma_start3A_25 = tpu.memref_slice %arg6[%dma_start3A_23, %dma_start3A_24] : memref<10240x64xf32, #tpu.memory_space<vmem_shared>> -> memref<10240x64xf32, #tpu.memory_space<vmem_shared>>
        tpu.enqueue_indirect_dma source(%dma_start3A_25 : memref<10240x64xf32, #tpu.memory_space<vmem_shared>>) target(%arg9 : memref<128x64xf32, #tpu.memory_space<vmem>>) offsets(%dma_start3A_22 : memref<128xi32, #tpu.memory_space<vmem>>) semaphore(%arg13 : memref<!tpu.dma_semaphore, #tpu.memory_space<semaphore_mem>>)
        %mul3A_26 = arith.constant 4 : i32
        %mul3A_27 = arith.muli %mul3A_26, %scan3A_16 : i32
        %add3A_28 = arith.constant 1 : i32
        %add3A_29 = arith.addi %mul3A_27, %add3A_28 : i32
        %dma_start3A_30 = arith.constant 0 : i32
        %dma_start3A_31 = arith.constant 0 : i32
        %dma_start3A_32 = tpu.memref_slice %arg8[%add3A_29, %dma_start3A_30, %dma_start3A_31] : memref<40x2x128xi32, #tpu.memory_space<vmem>> -> memref<1x1x128xi32, #tpu.memory_space<vmem>>
        %dma_start3A_33 = tpu.memref_squeeze %dma_start3A_32 : memref<1x1x128xi32, #tpu.memory_space<vmem>> -> memref<128xi32, #tpu.memory_space<vmem>>
        %dma_start3A_34 = arith.constant 0 : i32
        %dma_start3A_35 = arith.constant 0 : i32
        %dma_start3A_36 = tpu.memref_slice %arg6[%dma_start3A_34, %dma_start3A_35] : memref<10240x64xf32, #tpu.memory_space<vmem_shared>> -> memref<10240x64xf32, #tpu.memory_space<vmem_shared>>
        tpu.enqueue_indirect_dma source(%dma_start3A_36 : memref<10240x64xf32, #tpu.memory_space<vmem_shared>>) target(%arg10 : memref<128x64xf32, #tpu.memory_space<vmem>>) offsets(%dma_start3A_33 : memref<128xi32, #tpu.memory_space<vmem>>) semaphore(%arg14 : memref<!tpu.dma_semaphore, #tpu.memory_space<semaphore_mem>>)
        %mul3A_37 = arith.constant 4 : i32
        %mul3A_38 = arith.muli %mul3A_37, %scan3A_16 : i32
        %add3A_39 = arith.constant 2 : i32
        %add3A_40 = arith.addi %mul3A_38, %add3A_39 : i32
        %dma_start3A_41 = arith.constant 0 : i32
        %dma_start3A_42 = arith.constant 0 : i32
        %dma_start3A_43 = tpu.memref_slice %arg8[%add3A_40, %dma_start3A_41, %dma_start3A_42] : memref<40x2x128xi32, #tpu.memory_space<vmem>> -> memref<1x1x128xi32, #tpu.memory_space<vmem>>
        %dma_start3A_44 = tpu.memref_squeeze %dma_start3A_43 : memref<1x1x128xi32, #tpu.memory_space<vmem>> -> memref<128xi32, #tpu.memory_space<vmem>>
        %dma_start3A_45 = arith.constant 0 : i32
        %dma_start3A_46 = arith.constant 0 : i32
        %dma_start3A_47 = tpu.memref_slice %arg6[%dma_start3A_45, %dma_start3A_46] : memref<10240x64xf32, #tpu.memory_space<vmem_shared>> -> memref<10240x64xf32, #tpu.memory_space<vmem_shared>>
        tpu.enqueue_indirect_dma source(%dma_start3A_47 : memref<10240x64xf32, #tpu.memory_space<vmem_shared>>) target(%arg11 : memref<128x64xf32, #tpu.memory_space<vmem>>) offsets(%dma_start3A_44 : memref<128xi32, #tpu.memory_space<vmem>>) semaphore(%arg15 : memref<!tpu.dma_semaphore, #tpu.memory_space<semaphore_mem>>)
        %mul3A_48 = arith.constant 4 : i32
        %mul3A_49 = arith.muli %mul3A_48, %scan3A_16 : i32
        %add3A_50 = arith.constant 3 : i32
        %add3A_51 = arith.addi %mul3A_49, %add3A_50 : i32
        %dma_start3A_52 = arith.constant 0 : i32
        %dma_start3A_53 = arith.constant 0 : i32
        %dma_start3A_54 = tpu.memref_slice %arg8[%add3A_51, %dma_start3A_52, %dma_start3A_53] : memref<40x2x128xi32, #tpu.memory_space<vmem>> -> memref<1x1x128xi32, #tpu.memory_space<vmem>>
        %dma_start3A_55 = tpu.memref_squeeze %dma_start3A_54 : memref<1x1x128xi32, #tpu.memory_space<vmem>> -> memref<128xi32, #tpu.memory_space<vmem>>
        %dma_start3A_56 = arith.constant 0 : i32
        %dma_start3A_57 = arith.constant 0 : i32
        %dma_start3A_58 = tpu.memref_slice %arg6[%dma_start3A_56, %dma_start3A_57] : memref<10240x64xf32, #tpu.memory_space<vmem_shared>> -> memref<10240x64xf32, #tpu.memory_space<vmem_shared>>
        tpu.enqueue_indirect_dma source(%dma_start3A_58 : memref<10240x64xf32, #tpu.memory_space<vmem_shared>>) target(%arg12 : memref<128x64xf32, #tpu.memory_space<vmem>>) offsets(%dma_start3A_55 : memref<128xi32, #tpu.memory_space<vmem>>) semaphore(%arg16 : memref<!tpu.dma_semaphore, #tpu.memory_space<semaphore_mem>>)
        %dma_wait3A = arith.constant 0 : i32
        %dma_wait3A_59 = arith.constant 0 : i32
        %dma_wait3A_60 = tpu.memref_slice %arg8[%add3A_19, %dma_wait3A, %dma_wait3A_59] : memref<40x2x128xi32, #tpu.memory_space<vmem>> -> memref<1x1x128xi32, #tpu.memory_space<vmem>>
        %dma_wait3A_61 = tpu.memref_squeeze %dma_wait3A_60 : memref<1x1x128xi32, #tpu.memory_space<vmem>> -> memref<128xi32, #tpu.memory_space<vmem>>
        %dma_wait3A_62 = arith.constant 0 : i32
        %dma_wait3A_63 = arith.constant 0 : i32
        %dma_wait3A_64 = tpu.memref_slice %arg6[%dma_wait3A_62, %dma_wait3A_63] : memref<10240x64xf32, #tpu.memory_space<vmem_shared>> -> memref<10240x64xf32, #tpu.memory_space<vmem_shared>>
        tpu.wait_indirect_dma semaphore(%arg13 : memref<!tpu.dma_semaphore, #tpu.memory_space<semaphore_mem>>) src(%dma_wait3A_64 : memref<10240x64xf32, #tpu.memory_space<vmem_shared>>) dst(%arg9 : memref<128x64xf32, #tpu.memory_space<vmem>>)
        %mul3A_65 = arith.constant 4 : i32
        %mul3A_66 = arith.muli %mul3A_65, %scan3A_16 : i32
        %add3A_67 = arith.constant 0 : i32
        %add3A_68 = arith.addi %mul3A_66, %add3A_67 : i32
        %dma_start3A_69 = arith.constant 1 : i32
        %dma_start3A_70 = arith.constant 0 : i32
        %dma_start3A_71 = tpu.memref_slice %arg8[%add3A_68, %dma_start3A_69, %dma_start3A_70] : memref<40x2x128xi32, #tpu.memory_space<vmem>> -> memref<1x1x128xi32, #tpu.memory_space<vmem>>
        %dma_start3A_72 = tpu.memref_squeeze %dma_start3A_71 : memref<1x1x128xi32, #tpu.memory_space<vmem>> -> memref<128xi32, #tpu.memory_space<vmem>>
        %dma_start3A_73 = arith.constant 0 : i32
        %dma_start3A_74 = arith.constant 0 : i32
        %dma_start3A_75 = tpu.memref_slice %arg7[%dma_start3A_73, %dma_start3A_74] : memref<10240x64xf32, #tpu.memory_space<vmem_shared>> -> memref<10240x64xf32, #tpu.memory_space<vmem_shared>>
        tpu.enqueue_indirect_dma source(%arg9 : memref<128x64xf32, #tpu.memory_space<vmem>>) target(%dma_start3A_75 : memref<10240x64xf32, #tpu.memory_space<vmem_shared>>) offsets(%dma_start3A_72 : memref<128xi32, #tpu.memory_space<vmem>>) semaphore(%arg17 : memref<!tpu.dma_semaphore, #tpu.memory_space<semaphore_mem>>) {add = true}
        %dma_wait3A_76 = arith.constant 0 : i32
        %dma_wait3A_77 = arith.constant 0 : i32
        %dma_wait3A_78 = tpu.memref_slice %arg8[%add3A_29, %dma_wait3A_76, %dma_wait3A_77] : memref<40x2x128xi32, #tpu.memory_space<vmem>> -> memref<1x1x128xi32, #tpu.memory_space<vmem>>
        %dma_wait3A_79 = tpu.memref_squeeze %dma_wait3A_78 : memref<1x1x128xi32, #tpu.memory_space<vmem>> -> memref<128xi32, #tpu.memory_space<vmem>>
        %dma_wait3A_80 = arith.constant 0 : i32
        %dma_wait3A_81 = arith.constant 0 : i32
        %dma_wait3A_82 = tpu.memref_slice %arg6[%dma_wait3A_80, %dma_wait3A_81] : memref<10240x64xf32, #tpu.memory_space<vmem_shared>> -> memref<10240x64xf32, #tpu.memory_space<vmem_shared>>
        tpu.wait_indirect_dma semaphore(%arg14 : memref<!tpu.dma_semaphore, #tpu.memory_space<semaphore_mem>>) src(%dma_wait3A_82 : memref<10240x64xf32, #tpu.memory_space<vmem_shared>>) dst(%arg10 : memref<128x64xf32, #tpu.memory_space<vmem>>)
        %mul3A_83 = arith.constant 4 : i32
        %mul3A_84 = arith.muli %mul3A_83, %scan3A_16 : i32
        %add3A_85 = arith.constant 1 : i32
        %add3A_86 = arith.addi %mul3A_84, %add3A_85 : i32
        %dma_start3A_87 = arith.constant 1 : i32
        %dma_start3A_88 = arith.constant 0 : i32
        %dma_start3A_89 = tpu.memref_slice %arg8[%add3A_86, %dma_start3A_87, %dma_start3A_88] : memref<40x2x128xi32, #tpu.memory_space<vmem>> -> memref<1x1x128xi32, #tpu.memory_space<vmem>>
        %dma_start3A_90 = tpu.memref_squeeze %dma_start3A_89 : memref<1x1x128xi32, #tpu.memory_space<vmem>> -> memref<128xi32, #tpu.memory_space<vmem>>
        %dma_start3A_91 = arith.constant 0 : i32
        %dma_start3A_92 = arith.constant 0 : i32
        %dma_start3A_93 = tpu.memref_slice %arg7[%dma_start3A_91, %dma_start3A_92] : memref<10240x64xf32, #tpu.memory_space<vmem_shared>> -> memref<10240x64xf32, #tpu.memory_space<vmem_shared>>
        tpu.enqueue_indirect_dma source(%arg10 : memref<128x64xf32, #tpu.memory_space<vmem>>) target(%dma_start3A_93 : memref<10240x64xf32, #tpu.memory_space<vmem_shared>>) offsets(%dma_start3A_90 : memref<128xi32, #tpu.memory_space<vmem>>) semaphore(%arg18 : memref<!tpu.dma_semaphore, #tpu.memory_space<semaphore_mem>>) {add = true}
        %dma_wait3A_94 = arith.constant 0 : i32
        %dma_wait3A_95 = arith.constant 0 : i32
        %dma_wait3A_96 = tpu.memref_slice %arg8[%add3A_40, %dma_wait3A_94, %dma_wait3A_95] : memref<40x2x128xi32, #tpu.memory_space<vmem>> -> memref<1x1x128xi32, #tpu.memory_space<vmem>>
        %dma_wait3A_97 = tpu.memref_squeeze %dma_wait3A_96 : memref<1x1x128xi32, #tpu.memory_space<vmem>> -> memref<128xi32, #tpu.memory_space<vmem>>
        %dma_wait3A_98 = arith.constant 0 : i32
        %dma_wait3A_99 = arith.constant 0 : i32
        %dma_wait3A_100 = tpu.memref_slice %arg6[%dma_wait3A_98, %dma_wait3A_99] : memref<10240x64xf32, #tpu.memory_space<vmem_shared>> -> memref<10240x64xf32, #tpu.memory_space<vmem_shared>>
        tpu.wait_indirect_dma semaphore(%arg15 : memref<!tpu.dma_semaphore, #tpu.memory_space<semaphore_mem>>) src(%dma_wait3A_100 : memref<10240x64xf32, #tpu.memory_space<vmem_shared>>) dst(%arg11 : memref<128x64xf32, #tpu.memory_space<vmem>>)
        %mul3A_101 = arith.constant 4 : i32
        %mul3A_102 = arith.muli %mul3A_101, %scan3A_16 : i32
        %add3A_103 = arith.constant 2 : i32
        %add3A_104 = arith.addi %mul3A_102, %add3A_103 : i32
        %dma_start3A_105 = arith.constant 1 : i32
        %dma_start3A_106 = arith.constant 0 : i32
        %dma_start3A_107 = tpu.memref_slice %arg8[%add3A_104, %dma_start3A_105, %dma_start3A_106] : memref<40x2x128xi32, #tpu.memory_space<vmem>> -> memref<1x1x128xi32, #tpu.memory_space<vmem>>
        %dma_start3A_108 = tpu.memref_squeeze %dma_start3A_107 : memref<1x1x128xi32, #tpu.memory_space<vmem>> -> memref<128xi32, #tpu.memory_space<vmem>>
        %dma_start3A_109 = arith.constant 0 : i32
        %dma_start3A_110 = arith.constant 0 : i32
        %dma_start3A_111 = tpu.memref_slice %arg7[%dma_start3A_109, %dma_start3A_110] : memref<10240x64xf32, #tpu.memory_space<vmem_shared>> -> memref<10240x64xf32, #tpu.memory_space<vmem_shared>>
        tpu.enqueue_indirect_dma source(%arg11 : memref<128x64xf32, #tpu.memory_space<vmem>>) target(%dma_start3A_111 : memref<10240x64xf32, #tpu.memory_space<vmem_shared>>) offsets(%dma_start3A_108 : memref<128xi32, #tpu.memory_space<vmem>>) semaphore(%arg19 : memref<!tpu.dma_semaphore, #tpu.memory_space<semaphore_mem>>) {add = true}
        %dma_wait3A_112 = arith.constant 0 : i32
        %dma_wait3A_113 = arith.constant 0 : i32
        %dma_wait3A_114 = tpu.memref_slice %arg8[%add3A_51, %dma_wait3A_112, %dma_wait3A_113] : memref<40x2x128xi32, #tpu.memory_space<vmem>> -> memref<1x1x128xi32, #tpu.memory_space<vmem>>
        %dma_wait3A_115 = tpu.memref_squeeze %dma_wait3A_114 : memref<1x1x128xi32, #tpu.memory_space<vmem>> -> memref<128xi32, #tpu.memory_space<vmem>>
        %dma_wait3A_116 = arith.constant 0 : i32
        %dma_wait3A_117 = arith.constant 0 : i32
        %dma_wait3A_118 = tpu.memref_slice %arg6[%dma_wait3A_116, %dma_wait3A_117] : memref<10240x64xf32, #tpu.memory_space<vmem_shared>> -> memref<10240x64xf32, #tpu.memory_space<vmem_shared>>
        tpu.wait_indirect_dma semaphore(%arg16 : memref<!tpu.dma_semaphore, #tpu.memory_space<semaphore_mem>>) src(%dma_wait3A_118 : memref<10240x64xf32, #tpu.memory_space<vmem_shared>>) dst(%arg12 : memref<128x64xf32, #tpu.memory_space<vmem>>)
        %mul3A_119 = arith.constant 4 : i32
        %mul3A_120 = arith.muli %mul3A_119, %scan3A_16 : i32
        %add3A_121 = arith.constant 3 : i32
        %add3A_122 = arith.addi %mul3A_120, %add3A_121 : i32
        %dma_start3A_123 = arith.constant 1 : i32
        %dma_start3A_124 = arith.constant 0 : i32
        %dma_start3A_125 = tpu.memref_slice %arg8[%add3A_122, %dma_start3A_123, %dma_start3A_124] : memref<40x2x128xi32, #tpu.memory_space<vmem>> -> memref<1x1x128xi32, #tpu.memory_space<vmem>>
        %dma_start3A_126 = tpu.memref_squeeze %dma_start3A_125 : memref<1x1x128xi32, #tpu.memory_space<vmem>> -> memref<128xi32, #tpu.memory_space<vmem>>
        %dma_start3A_127 = arith.constant 0 : i32
        %dma_start3A_128 = arith.constant 0 : i32
        %dma_start3A_129 = tpu.memref_slice %arg7[%dma_start3A_127, %dma_start3A_128] : memref<10240x64xf32, #tpu.memory_space<vmem_shared>> -> memref<10240x64xf32, #tpu.memory_space<vmem_shared>>
        tpu.enqueue_indirect_dma source(%arg12 : memref<128x64xf32, #tpu.memory_space<vmem>>) target(%dma_start3A_129 : memref<10240x64xf32, #tpu.memory_space<vmem_shared>>) offsets(%dma_start3A_126 : memref<128xi32, #tpu.memory_space<vmem>>) semaphore(%arg20 : memref<!tpu.dma_semaphore, #tpu.memory_space<semaphore_mem>>) {add = true}
        %dma_wait3A_130 = arith.constant 1 : i32
        %dma_wait3A_131 = arith.constant 0 : i32
        %dma_wait3A_132 = tpu.memref_slice %arg8[%add3A_68, %dma_wait3A_130, %dma_wait3A_131] : memref<40x2x128xi32, #tpu.memory_space<vmem>> -> memref<1x1x128xi32, #tpu.memory_space<vmem>>
        %dma_wait3A_133 = tpu.memref_squeeze %dma_wait3A_132 : memref<1x1x128xi32, #tpu.memory_space<vmem>> -> memref<128xi32, #tpu.memory_space<vmem>>
        %dma_wait3A_134 = arith.constant 0 : i32
        %dma_wait3A_135 = arith.constant 0 : i32
        %dma_wait3A_136 = tpu.memref_slice %arg7[%dma_wait3A_134, %dma_wait3A_135] : memref<10240x64xf32, #tpu.memory_space<vmem_shared>> -> memref<10240x64xf32, #tpu.memory_space<vmem_shared>>
        tpu.wait_indirect_dma semaphore(%arg17 : memref<!tpu.dma_semaphore, #tpu.memory_space<semaphore_mem>>) src(%arg9 : memref<128x64xf32, #tpu.memory_space<vmem>>) dst(%dma_wait3A_136 : memref<10240x64xf32, #tpu.memory_space<vmem_shared>>)
        %dma_wait3A_137 = arith.constant 1 : i32
        %dma_wait3A_138 = arith.constant 0 : i32
        %dma_wait3A_139 = tpu.memref_slice %arg8[%add3A_86, %dma_wait3A_137, %dma_wait3A_138] : memref<40x2x128xi32, #tpu.memory_space<vmem>> -> memref<1x1x128xi32, #tpu.memory_space<vmem>>
        %dma_wait3A_140 = tpu.memref_squeeze %dma_wait3A_139 : memref<1x1x128xi32, #tpu.memory_space<vmem>> -> memref<128xi32, #tpu.memory_space<vmem>>
        %dma_wait3A_141 = arith.constant 0 : i32
        %dma_wait3A_142 = arith.constant 0 : i32
        %dma_wait3A_143 = tpu.memref_slice %arg7[%dma_wait3A_141, %dma_wait3A_142] : memref<10240x64xf32, #tpu.memory_space<vmem_shared>> -> memref<10240x64xf32, #tpu.memory_space<vmem_shared>>
        tpu.wait_indirect_dma semaphore(%arg18 : memref<!tpu.dma_semaphore, #tpu.memory_space<semaphore_mem>>) src(%arg10 : memref<128x64xf32, #tpu.memory_space<vmem>>) dst(%dma_wait3A_143 : memref<10240x64xf32, #tpu.memory_space<vmem_shared>>)
        %dma_wait3A_144 = arith.constant 1 : i32
        %dma_wait3A_145 = arith.constant 0 : i32
        %dma_wait3A_146 = tpu.memref_slice %arg8[%add3A_104, %dma_wait3A_144, %dma_wait3A_145] : memref<40x2x128xi32, #tpu.memory_space<vmem>> -> memref<1x1x128xi32, #tpu.memory_space<vmem>>
        %dma_wait3A_147 = tpu.memref_squeeze %dma_wait3A_146 : memref<1x1x128xi32, #tpu.memory_space<vmem>> -> memref<128xi32, #tpu.memory_space<vmem>>
        %dma_wait3A_148 = arith.constant 0 : i32
        %dma_wait3A_149 = arith.constant 0 : i32
        %dma_wait3A_150 = tpu.memref_slice %arg7[%dma_wait3A_148, %dma_wait3A_149] : memref<10240x64xf32, #tpu.memory_space<vmem_shared>> -> memref<10240x64xf32, #tpu.memory_space<vmem_shared>>
        tpu.wait_indirect_dma semaphore(%arg19 : memref<!tpu.dma_semaphore, #tpu.memory_space<semaphore_mem>>) src(%arg11 : memref<128x64xf32, #tpu.memory_space<vmem>>) dst(%dma_wait3A_150 : memref<10240x64xf32, #tpu.memory_space<vmem_shared>>)
        %dma_wait3A_151 = arith.constant 1 : i32
        %dma_wait3A_152 = arith.constant 0 : i32
        %dma_wait3A_153 = tpu.memref_slice %arg8[%add3A_122, %dma_wait3A_151, %dma_wait3A_152] : memref<40x2x128xi32, #tpu.memory_space<vmem>> -> memref<1x1x128xi32, #tpu.memory_space<vmem>>
        %dma_wait3A_154 = tpu.memref_squeeze %dma_wait3A_153 : memref<1x1x128xi32, #tpu.memory_space<vmem>> -> memref<128xi32, #tpu.memory_space<vmem>>
        %dma_wait3A_155 = arith.constant 0 : i32
        %dma_wait3A_156 = arith.constant 0 : i32
        %dma_wait3A_157 = tpu.memref_slice %arg7[%dma_wait3A_155, %dma_wait3A_156] : memref<10240x64xf32, #tpu.memory_space<vmem_shared>> -> memref<10240x64xf32, #tpu.memory_space<vmem_shared>>
        tpu.wait_indirect_dma semaphore(%arg20 : memref<!tpu.dma_semaphore, #tpu.memory_space<semaphore_mem>>) src(%arg12 : memref<128x64xf32, #tpu.memory_space<vmem>>) dst(%dma_wait3A_157 : memref<10240x64xf32, #tpu.memory_space<vmem_shared>>)
      }
      %scan3A_15 = arith.constant 10 : i32
    }
    %scan3A_5 = arith.constant 4 : i32
    %barrier3A_6 = arith.constant 0 : index
    tpu.barrier barrier_id(%barrier3A_6)
    "tpu.region"() ({
      %run_scoped3A = tpu.sem_alloc : memref<!tpu.dma_semaphore, #tpu.memory_space<semaphore_mem>>
      %dma_start3A = arith.constant 0 : i32
      %dma_start3A_7 = tpu.memref_slice %arg5[%arg0, %mul3A_0, %dma_start3A] : memref<2x10240x64xf32, #tpu.memory_space<hbm>> -> memref<1x640x64xf32, #tpu.memory_space<hbm>>
      %dma_start3A_8 = tpu.memref_squeeze %dma_start3A_7 : memref<1x640x64xf32, #tpu.memory_space<hbm>> -> memref<640x64xf32, #tpu.memory_space<hbm>>
      %dma_start3A_9 = arith.constant 0 : i32
      %dma_start3A_10 = tpu.memref_slice %arg7[%mul3A_0, %dma_start3A_9] : memref<10240x64xf32, #tpu.memory_space<vmem_shared>> -> memref<640x64xf32, #tpu.memory_space<vmem_shared>>
      tpu.enqueue_dma source(%dma_start3A_10 : memref<640x64xf32, #tpu.memory_space<vmem_shared>>) target(%dma_start3A_8 : memref<640x64xf32, #tpu.memory_space<hbm>>) target_semaphore(%run_scoped3A : memref<!tpu.dma_semaphore, #tpu.memory_space<semaphore_mem>>)
      %dma_wait3A = arith.constant 0 : i32
      %dma_wait3A_11 = tpu.memref_slice %arg5[%arg0, %mul3A_0, %dma_wait3A] : memref<2x10240x64xf32, #tpu.memory_space<hbm>> -> memref<1x640x64xf32, #tpu.memory_space<hbm>>
      %dma_wait3A_12 = tpu.memref_squeeze %dma_wait3A_11 : memref<1x640x64xf32, #tpu.memory_space<hbm>> -> memref<640x64xf32, #tpu.memory_space<hbm>>
      %dma_wait3A_13 = arith.constant 0 : i32
      %dma_wait3A_14 = tpu.memref_slice %arg7[%mul3A_0, %dma_wait3A_13] : memref<10240x64xf32, #tpu.memory_space<vmem_shared>> -> memref<640x64xf32, #tpu.memory_space<vmem_shared>>
      tpu.wait_dma2 semaphore(%run_scoped3A : memref<!tpu.dma_semaphore, #tpu.memory_space<semaphore_mem>>) src(%dma_wait3A_14 : memref<640x64xf32, #tpu.memory_space<vmem_shared>>) dst(%dma_wait3A_12 : memref<640x64xf32, #tpu.memory_space<hbm>>)
      tpu.yield
    }) : () -> ()
    return
  }
}

#map = affine_map<(d0, d1) -> (0, 0, 0)>
#map1 = affine_map<(d0, d1) -> (0, 0, 0, 0)>
#map2 = affine_map<(d0, d1) -> (0, 0)>
module attributes {stable_mosaic.version = 14 : i64} {
  func.func @_adj_spmm(%arg0: i32, %arg1: i32, %arg2: memref<2x10240x64xf32, #tpu.memory_space<hbm>>, %arg3: memref<16x160x2x128xi32, #tpu.memory_space<hbm>>, %arg4: memref<640x64xf32, #tpu.memory_space<hbm>>, %arg5: memref<2x10240x64xf32, #tpu.memory_space<hbm>>, %arg6: memref<10240x64xf32, #tpu.memory_space<vmem_shared>>, %arg7: memref<10240x64xf32, #tpu.memory_space<vmem_shared>>, %arg8: memref<40x2x128xi32, #tpu.memory_space<vmem>>, %arg9: memref<128x64xf32, #tpu.memory_space<vmem>>, %arg10: memref<128x64xf32, #tpu.memory_space<vmem>>, %arg11: memref<128x64xf32, #tpu.memory_space<vmem>>, %arg12: memref<128x64xf32, #tpu.memory_space<vmem>>, %arg13: memref<!tpu.dma_semaphore, #tpu.memory_space<semaphore_mem>>, %arg14: memref<!tpu.dma_semaphore, #tpu.memory_space<semaphore_mem>>, %arg15: memref<!tpu.dma_semaphore, #tpu.memory_space<semaphore_mem>>, %arg16: memref<!tpu.dma_semaphore, #tpu.memory_space<semaphore_mem>>, %arg17: memref<!tpu.dma_semaphore, #tpu.memory_space<semaphore_mem>>, %arg18: memref<!tpu.dma_semaphore, #tpu.memory_space<semaphore_mem>>, %arg19: memref<!tpu.dma_semaphore, #tpu.memory_space<semaphore_mem>>, %arg20: memref<!tpu.dma_semaphore, #tpu.memory_space<semaphore_mem>>) attributes {dimension_semantics = [#tpu.dimension_semantics<core_parallel>, #tpu.dimension_semantics<subcore_parallel>], iteration_bounds = array<i64: 2, 16>, scalar_prefetch = 0 : i64, scratch_operands = 15 : i64, tpu.core_type = #tpu.core_type<sc_vector_subcore>, window_params = [{transform_indices = #map}, {transform_indices = #map1}, {transform_indices = #map2}, {transform_indices = #map}]} {
    %mul3A = arith.constant 640 : i32
    %mul3A_0 = arith.muli %arg1, %mul3A : i32
    "tpu.region"() ({
      %run_scoped3A = tpu.sem_alloc : memref<!tpu.dma_semaphore, #tpu.memory_space<semaphore_mem>>
      %dma_start3A = arith.constant 0 : i32
      %dma_start3A_7 = tpu.memref_slice %arg6[%mul3A_0, %dma_start3A] : memref<10240x64xf32, #tpu.memory_space<vmem_shared>> -> memref<640x64xf32, #tpu.memory_space<vmem_shared>>
      %dma_start3A_8 = arith.constant 0 : i32
      %dma_start3A_9 = tpu.memref_slice %arg2[%arg0, %mul3A_0, %dma_start3A_8] : memref<2x10240x64xf32, #tpu.memory_space<hbm>> -> memref<1x640x64xf32, #tpu.memory_space<hbm>>
      %dma_start3A_10 = tpu.memref_squeeze %dma_start3A_9 : memref<1x640x64xf32, #tpu.memory_space<hbm>> -> memref<640x64xf32, #tpu.memory_space<hbm>>
      tpu.enqueue_dma source(%dma_start3A_10 : memref<640x64xf32, #tpu.memory_space<hbm>>) target(%dma_start3A_7 : memref<640x64xf32, #tpu.memory_space<vmem_shared>>) target_semaphore(%run_scoped3A : memref<!tpu.dma_semaphore, #tpu.memory_space<semaphore_mem>>)
      %dma_wait3A = arith.constant 0 : i32
      %dma_wait3A_11 = tpu.memref_slice %arg6[%mul3A_0, %dma_wait3A] : memref<10240x64xf32, #tpu.memory_space<vmem_shared>> -> memref<640x64xf32, #tpu.memory_space<vmem_shared>>
      %dma_wait3A_12 = arith.constant 0 : i32
      %dma_wait3A_13 = tpu.memref_slice %arg2[%arg0, %mul3A_0, %dma_wait3A_12] : memref<2x10240x64xf32, #tpu.memory_space<hbm>> -> memref<1x640x64xf32, #tpu.memory_space<hbm>>
      %dma_wait3A_14 = tpu.memref_squeeze %dma_wait3A_13 : memref<1x640x64xf32, #tpu.memory_space<hbm>> -> memref<640x64xf32, #tpu.memory_space<hbm>>
      tpu.wait_dma2 semaphore(%run_scoped3A : memref<!tpu.dma_semaphore, #tpu.memory_space<semaphore_mem>>) src(%dma_wait3A_14 : memref<640x64xf32, #tpu.memory_space<hbm>>) dst(%dma_wait3A_11 : memref<640x64xf32, #tpu.memory_space<vmem_shared>>)
      tpu.yield
    }) : () -> ()
    "tpu.region"() ({
      %run_scoped3A = tpu.sem_alloc : memref<!tpu.dma_semaphore, #tpu.memory_space<semaphore_mem>>
      %dma_start3A = arith.constant 0 : i32
      %dma_start3A_7 = tpu.memref_slice %arg7[%mul3A_0, %dma_start3A] : memref<10240x64xf32, #tpu.memory_space<vmem_shared>> -> memref<640x64xf32, #tpu.memory_space<vmem_shared>>
      tpu.enqueue_dma source(%arg4 : memref<640x64xf32, #tpu.memory_space<hbm>>) target(%dma_start3A_7 : memref<640x64xf32, #tpu.memory_space<vmem_shared>>) target_semaphore(%run_scoped3A : memref<!tpu.dma_semaphore, #tpu.memory_space<semaphore_mem>>)
      %dma_wait3A = arith.constant 0 : i32
      %dma_wait3A_8 = tpu.memref_slice %arg7[%mul3A_0, %dma_wait3A] : memref<10240x64xf32, #tpu.memory_space<vmem_shared>> -> memref<640x64xf32, #tpu.memory_space<vmem_shared>>
      tpu.wait_dma2 semaphore(%run_scoped3A : memref<!tpu.dma_semaphore, #tpu.memory_space<semaphore_mem>>) src(%arg4 : memref<640x64xf32, #tpu.memory_space<hbm>>) dst(%dma_wait3A_8 : memref<640x64xf32, #tpu.memory_space<vmem_shared>>)
      tpu.yield
    }) : () -> ()
    %barrier3A = arith.constant 0 : index
    tpu.barrier barrier_id(%barrier3A)
    %scan3A = arith.constant 0 : i32
    %scan3A_1 = arith.constant 0 : i32
    %scan3A_2 = arith.constant 4 : i32
    %scan3A_3 = arith.addi %scan3A_1, %scan3A_2 : i32
    %scan3A_4 = arith.constant 1 : i32
    scf.for %scan3A_7 = %scan3A_1 to %scan3A_3 step %scan3A_4  : i32 {
      %mul3A_8 = arith.constant 40 : i32
      %mul3A_9 = arith.muli %scan3A_7, %mul3A_8 : i32
      "tpu.region"() ({
        %run_scoped3A = tpu.sem_alloc : memref<!tpu.dma_semaphore, #tpu.memory_space<semaphore_mem>>
        %dma_start3A = arith.constant 0 : i32
        %dma_start3A_16 = arith.constant 0 : i32
        %dma_start3A_17 = tpu.memref_slice %arg3[%arg1, %mul3A_9, %dma_start3A, %dma_start3A_16] : memref<16x160x2x128xi32, #tpu.memory_space<hbm>> -> memref<1x40x2x128xi32, #tpu.memory_space<hbm>>
        %dma_start3A_18 = tpu.memref_squeeze %dma_start3A_17 : memref<1x40x2x128xi32, #tpu.memory_space<hbm>> -> memref<40x2x128xi32, #tpu.memory_space<hbm>>
        %dma_start3A_19 = arith.constant 0 : i32
        %dma_start3A_20 = arith.constant 0 : i32
        %dma_start3A_21 = tpu.memref_slice %arg3[%arg1, %mul3A_9, %dma_start3A_19, %dma_start3A_20] : memref<16x160x2x128xi32, #tpu.memory_space<hbm>> -> memref<1x40x2x128xi32, #tpu.memory_space<hbm>>
        %dma_start3A_22 = tpu.memref_squeeze %dma_start3A_21 : memref<1x40x2x128xi32, #tpu.memory_space<hbm>> -> memref<40x2x128xi32, #tpu.memory_space<hbm>>
        tpu.enqueue_dma source(%dma_start3A_22 : memref<40x2x128xi32, #tpu.memory_space<hbm>>) target(%arg8 : memref<40x2x128xi32, #tpu.memory_space<vmem>>) target_semaphore(%run_scoped3A : memref<!tpu.dma_semaphore, #tpu.memory_space<semaphore_mem>>)
        %dma_wait3A = arith.constant 0 : i32
        %dma_wait3A_23 = arith.constant 0 : i32
        %dma_wait3A_24 = tpu.memref_slice %arg3[%arg1, %mul3A_9, %dma_wait3A, %dma_wait3A_23] : memref<16x160x2x128xi32, #tpu.memory_space<hbm>> -> memref<1x40x2x128xi32, #tpu.memory_space<hbm>>
        %dma_wait3A_25 = tpu.memref_squeeze %dma_wait3A_24 : memref<1x40x2x128xi32, #tpu.memory_space<hbm>> -> memref<40x2x128xi32, #tpu.memory_space<hbm>>
        %dma_wait3A_26 = arith.constant 0 : i32
        %dma_wait3A_27 = arith.constant 0 : i32
        %dma_wait3A_28 = tpu.memref_slice %arg3[%arg1, %mul3A_9, %dma_wait3A_26, %dma_wait3A_27] : memref<16x160x2x128xi32, #tpu.memory_space<hbm>> -> memref<1x40x2x128xi32, #tpu.memory_space<hbm>>
        %dma_wait3A_29 = tpu.memref_squeeze %dma_wait3A_28 : memref<1x40x2x128xi32, #tpu.memory_space<hbm>> -> memref<40x2x128xi32, #tpu.memory_space<hbm>>
        tpu.wait_dma2 semaphore(%run_scoped3A : memref<!tpu.dma_semaphore, #tpu.memory_space<semaphore_mem>>) src(%dma_wait3A_29 : memref<40x2x128xi32, #tpu.memory_space<hbm>>) dst(%arg8 : memref<40x2x128xi32, #tpu.memory_space<vmem>>)
        tpu.yield
      }) : () -> ()
      %scan3A_10 = arith.constant 0 : i32
      %scan3A_11 = arith.constant 0 : i32
      %scan3A_12 = arith.constant 10 : i32
      %scan3A_13 = arith.addi %scan3A_11, %scan3A_12 : i32
      %scan3A_14 = arith.constant 1 : i32
      scf.for %scan3A_16 = %scan3A_11 to %scan3A_13 step %scan3A_14  : i32 {
        %mul3A_17 = arith.constant 4 : i32
        %mul3A_18 = arith.muli %mul3A_17, %scan3A_16 : i32
        %add3A = arith.constant 0 : i32
        %add3A_19 = arith.addi %mul3A_18, %add3A : i32
        %dma_start3A = arith.constant 0 : i32
        %dma_start3A_20 = arith.constant 0 : i32
        %dma_start3A_21 = tpu.memref_slice %arg8[%add3A_19, %dma_start3A, %dma_start3A_20] : memref<40x2x128xi32, #tpu.memory_space<vmem>> -> memref<1x1x128xi32, #tpu.memory_space<vmem>>
        %dma_start3A_22 = tpu.memref_squeeze %dma_start3A_21 : memref<1x1x128xi32, #tpu.memory_space<vmem>> -> memref<128xi32, #tpu.memory_space<vmem>>
        %dma_start3A_23 = arith.constant 0 : i32
        %dma_start3A_24 = arith.constant 0 : i32
        %dma_start3A_25 = tpu.memref_slice %arg6[%dma_start3A_23, %dma_start3A_24] : memref<10240x64xf32, #tpu.memory_space<vmem_shared>> -> memref<10240x64xf32, #tpu.memory_space<vmem_shared>>
        tpu.enqueue_indirect_dma source(%dma_start3A_25 : memref<10240x64xf32, #tpu.memory_space<vmem_shared>>) target(%arg9 : memref<128x64xf32, #tpu.memory_space<vmem>>) offsets(%dma_start3A_22 : memref<128xi32, #tpu.memory_space<vmem>>) semaphore(%arg13 : memref<!tpu.dma_semaphore, #tpu.memory_space<semaphore_mem>>)
        %mul3A_26 = arith.constant 4 : i32
        %mul3A_27 = arith.muli %mul3A_26, %scan3A_16 : i32
        %add3A_28 = arith.constant 1 : i32
        %add3A_29 = arith.addi %mul3A_27, %add3A_28 : i32
        %dma_start3A_30 = arith.constant 0 : i32
        %dma_start3A_31 = arith.constant 0 : i32
        %dma_start3A_32 = tpu.memref_slice %arg8[%add3A_29, %dma_start3A_30, %dma_start3A_31] : memref<40x2x128xi32, #tpu.memory_space<vmem>> -> memref<1x1x128xi32, #tpu.memory_space<vmem>>
        %dma_start3A_33 = tpu.memref_squeeze %dma_start3A_32 : memref<1x1x128xi32, #tpu.memory_space<vmem>> -> memref<128xi32, #tpu.memory_space<vmem>>
        %dma_start3A_34 = arith.constant 0 : i32
        %dma_start3A_35 = arith.constant 0 : i32
        %dma_start3A_36 = tpu.memref_slice %arg6[%dma_start3A_34, %dma_start3A_35] : memref<10240x64xf32, #tpu.memory_space<vmem_shared>> -> memref<10240x64xf32, #tpu.memory_space<vmem_shared>>
        tpu.enqueue_indirect_dma source(%dma_start3A_36 : memref<10240x64xf32, #tpu.memory_space<vmem_shared>>) target(%arg10 : memref<128x64xf32, #tpu.memory_space<vmem>>) offsets(%dma_start3A_33 : memref<128xi32, #tpu.memory_space<vmem>>) semaphore(%arg14 : memref<!tpu.dma_semaphore, #tpu.memory_space<semaphore_mem>>)
        %mul3A_37 = arith.constant 4 : i32
        %mul3A_38 = arith.muli %mul3A_37, %scan3A_16 : i32
        %add3A_39 = arith.constant 2 : i32
        %add3A_40 = arith.addi %mul3A_38, %add3A_39 : i32
        %dma_start3A_41 = arith.constant 0 : i32
        %dma_start3A_42 = arith.constant 0 : i32
        %dma_start3A_43 = tpu.memref_slice %arg8[%add3A_40, %dma_start3A_41, %dma_start3A_42] : memref<40x2x128xi32, #tpu.memory_space<vmem>> -> memref<1x1x128xi32, #tpu.memory_space<vmem>>
        %dma_start3A_44 = tpu.memref_squeeze %dma_start3A_43 : memref<1x1x128xi32, #tpu.memory_space<vmem>> -> memref<128xi32, #tpu.memory_space<vmem>>
        %dma_start3A_45 = arith.constant 0 : i32
        %dma_start3A_46 = arith.constant 0 : i32
        %dma_start3A_47 = tpu.memref_slice %arg6[%dma_start3A_45, %dma_start3A_46] : memref<10240x64xf32, #tpu.memory_space<vmem_shared>> -> memref<10240x64xf32, #tpu.memory_space<vmem_shared>>
        tpu.enqueue_indirect_dma source(%dma_start3A_47 : memref<10240x64xf32, #tpu.memory_space<vmem_shared>>) target(%arg11 : memref<128x64xf32, #tpu.memory_space<vmem>>) offsets(%dma_start3A_44 : memref<128xi32, #tpu.memory_space<vmem>>) semaphore(%arg15 : memref<!tpu.dma_semaphore, #tpu.memory_space<semaphore_mem>>)
        %mul3A_48 = arith.constant 4 : i32
        %mul3A_49 = arith.muli %mul3A_48, %scan3A_16 : i32
        %add3A_50 = arith.constant 3 : i32
        %add3A_51 = arith.addi %mul3A_49, %add3A_50 : i32
        %dma_start3A_52 = arith.constant 0 : i32
        %dma_start3A_53 = arith.constant 0 : i32
        %dma_start3A_54 = tpu.memref_slice %arg8[%add3A_51, %dma_start3A_52, %dma_start3A_53] : memref<40x2x128xi32, #tpu.memory_space<vmem>> -> memref<1x1x128xi32, #tpu.memory_space<vmem>>
        %dma_start3A_55 = tpu.memref_squeeze %dma_start3A_54 : memref<1x1x128xi32, #tpu.memory_space<vmem>> -> memref<128xi32, #tpu.memory_space<vmem>>
        %dma_start3A_56 = arith.constant 0 : i32
        %dma_start3A_57 = arith.constant 0 : i32
        %dma_start3A_58 = tpu.memref_slice %arg6[%dma_start3A_56, %dma_start3A_57] : memref<10240x64xf32, #tpu.memory_space<vmem_shared>> -> memref<10240x64xf32, #tpu.memory_space<vmem_shared>>
        tpu.enqueue_indirect_dma source(%dma_start3A_58 : memref<10240x64xf32, #tpu.memory_space<vmem_shared>>) target(%arg12 : memref<128x64xf32, #tpu.memory_space<vmem>>) offsets(%dma_start3A_55 : memref<128xi32, #tpu.memory_space<vmem>>) semaphore(%arg16 : memref<!tpu.dma_semaphore, #tpu.memory_space<semaphore_mem>>)
        %dma_wait3A = arith.constant 0 : i32
        %dma_wait3A_59 = arith.constant 0 : i32
        %dma_wait3A_60 = tpu.memref_slice %arg8[%add3A_19, %dma_wait3A, %dma_wait3A_59] : memref<40x2x128xi32, #tpu.memory_space<vmem>> -> memref<1x1x128xi32, #tpu.memory_space<vmem>>
        %dma_wait3A_61 = tpu.memref_squeeze %dma_wait3A_60 : memref<1x1x128xi32, #tpu.memory_space<vmem>> -> memref<128xi32, #tpu.memory_space<vmem>>
        %dma_wait3A_62 = arith.constant 0 : i32
        %dma_wait3A_63 = arith.constant 0 : i32
        %dma_wait3A_64 = tpu.memref_slice %arg6[%dma_wait3A_62, %dma_wait3A_63] : memref<10240x64xf32, #tpu.memory_space<vmem_shared>> -> memref<10240x64xf32, #tpu.memory_space<vmem_shared>>
        tpu.wait_indirect_dma semaphore(%arg13 : memref<!tpu.dma_semaphore, #tpu.memory_space<semaphore_mem>>) src(%dma_wait3A_64 : memref<10240x64xf32, #tpu.memory_space<vmem_shared>>) dst(%arg9 : memref<128x64xf32, #tpu.memory_space<vmem>>)
        %mul3A_65 = arith.constant 4 : i32
        %mul3A_66 = arith.muli %mul3A_65, %scan3A_16 : i32
        %add3A_67 = arith.constant 0 : i32
        %add3A_68 = arith.addi %mul3A_66, %add3A_67 : i32
        %dma_start3A_69 = arith.constant 1 : i32
        %dma_start3A_70 = arith.constant 0 : i32
        %dma_start3A_71 = tpu.memref_slice %arg8[%add3A_68, %dma_start3A_69, %dma_start3A_70] : memref<40x2x128xi32, #tpu.memory_space<vmem>> -> memref<1x1x128xi32, #tpu.memory_space<vmem>>
        %dma_start3A_72 = tpu.memref_squeeze %dma_start3A_71 : memref<1x1x128xi32, #tpu.memory_space<vmem>> -> memref<128xi32, #tpu.memory_space<vmem>>
        %dma_start3A_73 = arith.constant 0 : i32
        %dma_start3A_74 = arith.constant 0 : i32
        %dma_start3A_75 = tpu.memref_slice %arg7[%dma_start3A_73, %dma_start3A_74] : memref<10240x64xf32, #tpu.memory_space<vmem_shared>> -> memref<10240x64xf32, #tpu.memory_space<vmem_shared>>
        tpu.enqueue_indirect_dma source(%arg9 : memref<128x64xf32, #tpu.memory_space<vmem>>) target(%dma_start3A_75 : memref<10240x64xf32, #tpu.memory_space<vmem_shared>>) offsets(%dma_start3A_72 : memref<128xi32, #tpu.memory_space<vmem>>) semaphore(%arg17 : memref<!tpu.dma_semaphore, #tpu.memory_space<semaphore_mem>>) {add = true}
        %dma_wait3A_76 = arith.constant 0 : i32
        %dma_wait3A_77 = arith.constant 0 : i32
        %dma_wait3A_78 = tpu.memref_slice %arg8[%add3A_29, %dma_wait3A_76, %dma_wait3A_77] : memref<40x2x128xi32, #tpu.memory_space<vmem>> -> memref<1x1x128xi32, #tpu.memory_space<vmem>>
        %dma_wait3A_79 = tpu.memref_squeeze %dma_wait3A_78 : memref<1x1x128xi32, #tpu.memory_space<vmem>> -> memref<128xi32, #tpu.memory_space<vmem>>
        %dma_wait3A_80 = arith.constant 0 : i32
        %dma_wait3A_81 = arith.constant 0 : i32
        %dma_wait3A_82 = tpu.memref_slice %arg6[%dma_wait3A_80, %dma_wait3A_81] : memref<10240x64xf32, #tpu.memory_space<vmem_shared>> -> memref<10240x64xf32, #tpu.memory_space<vmem_shared>>
        tpu.wait_indirect_dma semaphore(%arg14 : memref<!tpu.dma_semaphore, #tpu.memory_space<semaphore_mem>>) src(%dma_wait3A_82 : memref<10240x64xf32, #tpu.memory_space<vmem_shared>>) dst(%arg10 : memref<128x64xf32, #tpu.memory_space<vmem>>)
        %mul3A_83 = arith.constant 4 : i32
        %mul3A_84 = arith.muli %mul3A_83, %scan3A_16 : i32
        %add3A_85 = arith.constant 1 : i32
        %add3A_86 = arith.addi %mul3A_84, %add3A_85 : i32
        %dma_start3A_87 = arith.constant 1 : i32
        %dma_start3A_88 = arith.constant 0 : i32
        %dma_start3A_89 = tpu.memref_slice %arg8[%add3A_86, %dma_start3A_87, %dma_start3A_88] : memref<40x2x128xi32, #tpu.memory_space<vmem>> -> memref<1x1x128xi32, #tpu.memory_space<vmem>>
        %dma_start3A_90 = tpu.memref_squeeze %dma_start3A_89 : memref<1x1x128xi32, #tpu.memory_space<vmem>> -> memref<128xi32, #tpu.memory_space<vmem>>
        %dma_start3A_91 = arith.constant 0 : i32
        %dma_start3A_92 = arith.constant 0 : i32
        %dma_start3A_93 = tpu.memref_slice %arg7[%dma_start3A_91, %dma_start3A_92] : memref<10240x64xf32, #tpu.memory_space<vmem_shared>> -> memref<10240x64xf32, #tpu.memory_space<vmem_shared>>
        tpu.enqueue_indirect_dma source(%arg10 : memref<128x64xf32, #tpu.memory_space<vmem>>) target(%dma_start3A_93 : memref<10240x64xf32, #tpu.memory_space<vmem_shared>>) offsets(%dma_start3A_90 : memref<128xi32, #tpu.memory_space<vmem>>) semaphore(%arg18 : memref<!tpu.dma_semaphore, #tpu.memory_space<semaphore_mem>>) {add = true}
        %dma_wait3A_94 = arith.constant 0 : i32
        %dma_wait3A_95 = arith.constant 0 : i32
        %dma_wait3A_96 = tpu.memref_slice %arg8[%add3A_40, %dma_wait3A_94, %dma_wait3A_95] : memref<40x2x128xi32, #tpu.memory_space<vmem>> -> memref<1x1x128xi32, #tpu.memory_space<vmem>>
        %dma_wait3A_97 = tpu.memref_squeeze %dma_wait3A_96 : memref<1x1x128xi32, #tpu.memory_space<vmem>> -> memref<128xi32, #tpu.memory_space<vmem>>
        %dma_wait3A_98 = arith.constant 0 : i32
        %dma_wait3A_99 = arith.constant 0 : i32
        %dma_wait3A_100 = tpu.memref_slice %arg6[%dma_wait3A_98, %dma_wait3A_99] : memref<10240x64xf32, #tpu.memory_space<vmem_shared>> -> memref<10240x64xf32, #tpu.memory_space<vmem_shared>>
        tpu.wait_indirect_dma semaphore(%arg15 : memref<!tpu.dma_semaphore, #tpu.memory_space<semaphore_mem>>) src(%dma_wait3A_100 : memref<10240x64xf32, #tpu.memory_space<vmem_shared>>) dst(%arg11 : memref<128x64xf32, #tpu.memory_space<vmem>>)
        %mul3A_101 = arith.constant 4 : i32
        %mul3A_102 = arith.muli %mul3A_101, %scan3A_16 : i32
        %add3A_103 = arith.constant 2 : i32
        %add3A_104 = arith.addi %mul3A_102, %add3A_103 : i32
        %dma_start3A_105 = arith.constant 1 : i32
        %dma_start3A_106 = arith.constant 0 : i32
        %dma_start3A_107 = tpu.memref_slice %arg8[%add3A_104, %dma_start3A_105, %dma_start3A_106] : memref<40x2x128xi32, #tpu.memory_space<vmem>> -> memref<1x1x128xi32, #tpu.memory_space<vmem>>
        %dma_start3A_108 = tpu.memref_squeeze %dma_start3A_107 : memref<1x1x128xi32, #tpu.memory_space<vmem>> -> memref<128xi32, #tpu.memory_space<vmem>>
        %dma_start3A_109 = arith.constant 0 : i32
        %dma_start3A_110 = arith.constant 0 : i32
        %dma_start3A_111 = tpu.memref_slice %arg7[%dma_start3A_109, %dma_start3A_110] : memref<10240x64xf32, #tpu.memory_space<vmem_shared>> -> memref<10240x64xf32, #tpu.memory_space<vmem_shared>>
        tpu.enqueue_indirect_dma source(%arg11 : memref<128x64xf32, #tpu.memory_space<vmem>>) target(%dma_start3A_111 : memref<10240x64xf32, #tpu.memory_space<vmem_shared>>) offsets(%dma_start3A_108 : memref<128xi32, #tpu.memory_space<vmem>>) semaphore(%arg19 : memref<!tpu.dma_semaphore, #tpu.memory_space<semaphore_mem>>) {add = true}
        %dma_wait3A_112 = arith.constant 0 : i32
        %dma_wait3A_113 = arith.constant 0 : i32
        %dma_wait3A_114 = tpu.memref_slice %arg8[%add3A_51, %dma_wait3A_112, %dma_wait3A_113] : memref<40x2x128xi32, #tpu.memory_space<vmem>> -> memref<1x1x128xi32, #tpu.memory_space<vmem>>
        %dma_wait3A_115 = tpu.memref_squeeze %dma_wait3A_114 : memref<1x1x128xi32, #tpu.memory_space<vmem>> -> memref<128xi32, #tpu.memory_space<vmem>>
        %dma_wait3A_116 = arith.constant 0 : i32
        %dma_wait3A_117 = arith.constant 0 : i32
        %dma_wait3A_118 = tpu.memref_slice %arg6[%dma_wait3A_116, %dma_wait3A_117] : memref<10240x64xf32, #tpu.memory_space<vmem_shared>> -> memref<10240x64xf32, #tpu.memory_space<vmem_shared>>
        tpu.wait_indirect_dma semaphore(%arg16 : memref<!tpu.dma_semaphore, #tpu.memory_space<semaphore_mem>>) src(%dma_wait3A_118 : memref<10240x64xf32, #tpu.memory_space<vmem_shared>>) dst(%arg12 : memref<128x64xf32, #tpu.memory_space<vmem>>)
        %mul3A_119 = arith.constant 4 : i32
        %mul3A_120 = arith.muli %mul3A_119, %scan3A_16 : i32
        %add3A_121 = arith.constant 3 : i32
        %add3A_122 = arith.addi %mul3A_120, %add3A_121 : i32
        %dma_start3A_123 = arith.constant 1 : i32
        %dma_start3A_124 = arith.constant 0 : i32
        %dma_start3A_125 = tpu.memref_slice %arg8[%add3A_122, %dma_start3A_123, %dma_start3A_124] : memref<40x2x128xi32, #tpu.memory_space<vmem>> -> memref<1x1x128xi32, #tpu.memory_space<vmem>>
        %dma_start3A_126 = tpu.memref_squeeze %dma_start3A_125 : memref<1x1x128xi32, #tpu.memory_space<vmem>> -> memref<128xi32, #tpu.memory_space<vmem>>
        %dma_start3A_127 = arith.constant 0 : i32
        %dma_start3A_128 = arith.constant 0 : i32
        %dma_start3A_129 = tpu.memref_slice %arg7[%dma_start3A_127, %dma_start3A_128] : memref<10240x64xf32, #tpu.memory_space<vmem_shared>> -> memref<10240x64xf32, #tpu.memory_space<vmem_shared>>
        tpu.enqueue_indirect_dma source(%arg12 : memref<128x64xf32, #tpu.memory_space<vmem>>) target(%dma_start3A_129 : memref<10240x64xf32, #tpu.memory_space<vmem_shared>>) offsets(%dma_start3A_126 : memref<128xi32, #tpu.memory_space<vmem>>) semaphore(%arg20 : memref<!tpu.dma_semaphore, #tpu.memory_space<semaphore_mem>>) {add = true}
        %dma_wait3A_130 = arith.constant 1 : i32
        %dma_wait3A_131 = arith.constant 0 : i32
        %dma_wait3A_132 = tpu.memref_slice %arg8[%add3A_68, %dma_wait3A_130, %dma_wait3A_131] : memref<40x2x128xi32, #tpu.memory_space<vmem>> -> memref<1x1x128xi32, #tpu.memory_space<vmem>>
        %dma_wait3A_133 = tpu.memref_squeeze %dma_wait3A_132 : memref<1x1x128xi32, #tpu.memory_space<vmem>> -> memref<128xi32, #tpu.memory_space<vmem>>
        %dma_wait3A_134 = arith.constant 0 : i32
        %dma_wait3A_135 = arith.constant 0 : i32
        %dma_wait3A_136 = tpu.memref_slice %arg7[%dma_wait3A_134, %dma_wait3A_135] : memref<10240x64xf32, #tpu.memory_space<vmem_shared>> -> memref<10240x64xf32, #tpu.memory_space<vmem_shared>>
        tpu.wait_indirect_dma semaphore(%arg17 : memref<!tpu.dma_semaphore, #tpu.memory_space<semaphore_mem>>) src(%arg9 : memref<128x64xf32, #tpu.memory_space<vmem>>) dst(%dma_wait3A_136 : memref<10240x64xf32, #tpu.memory_space<vmem_shared>>)
        %dma_wait3A_137 = arith.constant 1 : i32
        %dma_wait3A_138 = arith.constant 0 : i32
        %dma_wait3A_139 = tpu.memref_slice %arg8[%add3A_86, %dma_wait3A_137, %dma_wait3A_138] : memref<40x2x128xi32, #tpu.memory_space<vmem>> -> memref<1x1x128xi32, #tpu.memory_space<vmem>>
        %dma_wait3A_140 = tpu.memref_squeeze %dma_wait3A_139 : memref<1x1x128xi32, #tpu.memory_space<vmem>> -> memref<128xi32, #tpu.memory_space<vmem>>
        %dma_wait3A_141 = arith.constant 0 : i32
        %dma_wait3A_142 = arith.constant 0 : i32
        %dma_wait3A_143 = tpu.memref_slice %arg7[%dma_wait3A_141, %dma_wait3A_142] : memref<10240x64xf32, #tpu.memory_space<vmem_shared>> -> memref<10240x64xf32, #tpu.memory_space<vmem_shared>>
        tpu.wait_indirect_dma semaphore(%arg18 : memref<!tpu.dma_semaphore, #tpu.memory_space<semaphore_mem>>) src(%arg10 : memref<128x64xf32, #tpu.memory_space<vmem>>) dst(%dma_wait3A_143 : memref<10240x64xf32, #tpu.memory_space<vmem_shared>>)
        %dma_wait3A_144 = arith.constant 1 : i32
        %dma_wait3A_145 = arith.constant 0 : i32
        %dma_wait3A_146 = tpu.memref_slice %arg8[%add3A_104, %dma_wait3A_144, %dma_wait3A_145] : memref<40x2x128xi32, #tpu.memory_space<vmem>> -> memref<1x1x128xi32, #tpu.memory_space<vmem>>
        %dma_wait3A_147 = tpu.memref_squeeze %dma_wait3A_146 : memref<1x1x128xi32, #tpu.memory_space<vmem>> -> memref<128xi32, #tpu.memory_space<vmem>>
        %dma_wait3A_148 = arith.constant 0 : i32
        %dma_wait3A_149 = arith.constant 0 : i32
        %dma_wait3A_150 = tpu.memref_slice %arg7[%dma_wait3A_148, %dma_wait3A_149] : memref<10240x64xf32, #tpu.memory_space<vmem_shared>> -> memref<10240x64xf32, #tpu.memory_space<vmem_shared>>
        tpu.wait_indirect_dma semaphore(%arg19 : memref<!tpu.dma_semaphore, #tpu.memory_space<semaphore_mem>>) src(%arg11 : memref<128x64xf32, #tpu.memory_space<vmem>>) dst(%dma_wait3A_150 : memref<10240x64xf32, #tpu.memory_space<vmem_shared>>)
        %dma_wait3A_151 = arith.constant 1 : i32
        %dma_wait3A_152 = arith.constant 0 : i32
        %dma_wait3A_153 = tpu.memref_slice %arg8[%add3A_122, %dma_wait3A_151, %dma_wait3A_152] : memref<40x2x128xi32, #tpu.memory_space<vmem>> -> memref<1x1x128xi32, #tpu.memory_space<vmem>>
        %dma_wait3A_154 = tpu.memref_squeeze %dma_wait3A_153 : memref<1x1x128xi32, #tpu.memory_space<vmem>> -> memref<128xi32, #tpu.memory_space<vmem>>
        %dma_wait3A_155 = arith.constant 0 : i32
        %dma_wait3A_156 = arith.constant 0 : i32
        %dma_wait3A_157 = tpu.memref_slice %arg7[%dma_wait3A_155, %dma_wait3A_156] : memref<10240x64xf32, #tpu.memory_space<vmem_shared>> -> memref<10240x64xf32, #tpu.memory_space<vmem_shared>>
        tpu.wait_indirect_dma semaphore(%arg20 : memref<!tpu.dma_semaphore, #tpu.memory_space<semaphore_mem>>) src(%arg12 : memref<128x64xf32, #tpu.memory_space<vmem>>) dst(%dma_wait3A_157 : memref<10240x64xf32, #tpu.memory_space<vmem_shared>>)
      }
      %scan3A_15 = arith.constant 10 : i32
    }
    %scan3A_5 = arith.constant 4 : i32
    %barrier3A_6 = arith.constant 0 : index
    tpu.barrier barrier_id(%barrier3A_6)
    "tpu.region"() ({
      %run_scoped3A = tpu.sem_alloc : memref<!tpu.dma_semaphore, #tpu.memory_space<semaphore_mem>>
      %dma_start3A = arith.constant 0 : i32
      %dma_start3A_7 = tpu.memref_slice %arg5[%arg0, %mul3A_0, %dma_start3A] : memref<2x10240x64xf32, #tpu.memory_space<hbm>> -> memref<1x640x64xf32, #tpu.memory_space<hbm>>
      %dma_start3A_8 = tpu.memref_squeeze %dma_start3A_7 : memref<1x640x64xf32, #tpu.memory_space<hbm>> -> memref<640x64xf32, #tpu.memory_space<hbm>>
      %dma_start3A_9 = arith.constant 0 : i32
      %dma_start3A_10 = tpu.memref_slice %arg7[%mul3A_0, %dma_start3A_9] : memref<10240x64xf32, #tpu.memory_space<vmem_shared>> -> memref<640x64xf32, #tpu.memory_space<vmem_shared>>
      tpu.enqueue_dma source(%dma_start3A_10 : memref<640x64xf32, #tpu.memory_space<vmem_shared>>) target(%dma_start3A_8 : memref<640x64xf32, #tpu.memory_space<hbm>>) target_semaphore(%run_scoped3A : memref<!tpu.dma_semaphore, #tpu.memory_space<semaphore_mem>>)
      %dma_wait3A = arith.constant 0 : i32
      %dma_wait3A_11 = tpu.memref_slice %arg5[%arg0, %mul3A_0, %dma_wait3A] : memref<2x10240x64xf32, #tpu.memory_space<hbm>> -> memref<1x640x64xf32, #tpu.memory_space<hbm>>
      %dma_wait3A_12 = tpu.memref_squeeze %dma_wait3A_11 : memref<1x640x64xf32, #tpu.memory_space<hbm>> -> memref<640x64xf32, #tpu.memory_space<hbm>>
      %dma_wait3A_13 = arith.constant 0 : i32
      %dma_wait3A_14 = tpu.memref_slice %arg7[%mul3A_0, %dma_wait3A_13] : memref<10240x64xf32, #tpu.memory_space<vmem_shared>> -> memref<640x64xf32, #tpu.memory_space<vmem_shared>>
      tpu.wait_dma2 semaphore(%run_scoped3A : memref<!tpu.dma_semaphore, #tpu.memory_space<semaphore_mem>>) src(%dma_wait3A_14 : memref<640x64xf32, #tpu.memory_space<vmem_shared>>) dst(%dma_wait3A_12 : memref<640x64xf32, #tpu.memory_space<hbm>>)
      tpu.yield
    }) : () -> ()
    return
  }
}

module attributes {stable_mosaic.version = 14 : i64} {
  func.func @_mm_split_body(%arg0: i32, %arg1: memref<2048x128xf32, #tpu.memory_space<vmem>>, %arg2: memref<128x128xf32, #tpu.memory_space<vmem>>, %arg3: memref<2x2048x64xf32, #tpu.memory_space<vmem>>) attributes {dimension_semantics = [#tpu.dimension_semantics<arbitrary>], iteration_bounds = array<i64: 5>, scalar_prefetch = 0 : i64, scratch_operands = 0 : i64, tpu.core_type = #tpu.core_type<tc>, window_params = [{transform_indices = @transform_0, window_bounds = array<i64: 2048, 128>}, {pipeline_mode = #tpu.pipeline_mode<synchronous>, transform_indices = @transform_1, window_bounds = array<i64: 128, 128>}, {transform_indices = @transform_2, window_bounds = array<i64: 2, 2048, 64>}]} {
    %get3A = arith.constant 0 : index
    %get3A_0 = arith.constant 0 : index
    %get3A_1 = vector.load %arg1[%get3A, %get3A_0] : memref<2048x128xf32, #tpu.memory_space<vmem>>, vector<2048x128xf32>
    %get3A_2 = arith.constant 0 : index
    %get3A_3 = arith.constant 0 : index
    %get3A_4 = vector.load %arg2[%get3A_2, %get3A_3] : memref<128x128xf32, #tpu.memory_space<vmem>>, vector<128x128xf32>
    %dot_general3A = arith.constant dense<0.000000e+00> : vector<2048x128xf32>
    %dot_general3A_5 = tpu.matmul %get3A_1, %get3A_4, %dot_general3A {dimension_numbers = #tpu.dot_dimension_numbers<[1], [0], [0], [1], [0, 0, 1, 1], [], []>, transpose_lhs_hint = false} : vector<2048x128xf32>, vector<128x128xf32>, vector<2048x128xf32> -> vector<2048x128xf32>
    %slice3A = vector.extract_strided_slice %dot_general3A_5 {offsets = [0, 0], sizes = [2048, 64], strides = [1, 1]} : vector<2048x128xf32> to vector<2048x64xf32>
    %swap3A = arith.constant 0 : index
    %swap3A_6 = arith.constant 0 : index
    %swap3A_7 = arith.constant 0 : index
    %swap3A_8 = vector.load %arg3[%swap3A, %swap3A_6, %swap3A_7] : memref<2x2048x64xf32, #tpu.memory_space<vmem>>, vector<1x2048x64xf32>
    %swap3A_9 = vector.shape_cast %swap3A_8 : vector<1x2048x64xf32> to vector<2048x64xf32>
    %swap3A_10 = vector.shape_cast %slice3A : vector<2048x64xf32> to vector<1x2048x64xf32>
    tpu.vector_store %arg3[%swap3A, %swap3A_6, %swap3A_7], %swap3A_10 {strides = array<i32>} : memref<2x2048x64xf32, #tpu.memory_space<vmem>>, vector<1x2048x64xf32>,
    %slice3A_11 = vector.extract_strided_slice %dot_general3A_5 {offsets = [0, 64], sizes = [2048, 64], strides = [1, 1]} : vector<2048x128xf32> to vector<2048x64xf32>
    %swap3A_12 = arith.constant 1 : index
    %swap3A_13 = arith.constant 0 : index
    %swap3A_14 = arith.constant 0 : index
    %swap3A_15 = vector.load %arg3[%swap3A_12, %swap3A_13, %swap3A_14] : memref<2x2048x64xf32, #tpu.memory_space<vmem>>, vector<1x2048x64xf32>
    %swap3A_16 = vector.shape_cast %swap3A_15 : vector<1x2048x64xf32> to vector<2048x64xf32>
    %swap3A_17 = vector.shape_cast %slice3A_11 : vector<2048x64xf32> to vector<1x2048x64xf32>
    tpu.vector_store %arg3[%swap3A_12, %swap3A_13, %swap3A_14], %swap3A_17 {strides = array<i32>} : memref<2x2048x64xf32, #tpu.memory_space<vmem>>, vector<1x2048x64xf32>,
    return
  }
  func.func @transform_0(%arg0: i32) -> (i32, i32) {
    %c0_i32 = arith.constant 0 : i32
    %c0_i32_0 = arith.constant 0 : i32
    return %arg0, %c0_i32 : i32, i32
  }
  func.func @transform_1(%arg0: i32) -> (i32, i32) {
    %c0_i32 = arith.constant 0 : i32
    %c0_i32_0 = arith.constant 0 : i32
    %c0_i32_1 = arith.constant 0 : i32
    return %c0_i32, %c0_i32_0 : i32, i32
  }
  func.func @transform_2(%arg0: i32) -> (i32, i32, i32) {
    %c0_i32 = arith.constant 0 : i32
    %c0_i32_0 = arith.constant 0 : i32
    %c0_i32_1 = arith.constant 0 : i32
    return %c0_i32, %arg0, %c0_i32_0 : i32, i32, i32
  }
}

module attributes {stable_mosaic.version = 14 : i64} {
  func.func @_x1_pass_body(%arg0: i32, %arg1: memref<3200x128xf32, #tpu.memory_space<vmem>>, %arg2: memref<128x8xf32, #tpu.memory_space<vmem>>, %arg3: memref<3200x8xf32, #tpu.memory_space<vmem>>, %arg4: memref<1x128xf32, #tpu.memory_space<vmem>>) attributes {dimension_semantics = [#tpu.dimension_semantics<arbitrary>], iteration_bounds = array<i64: 50>, scalar_prefetch = 0 : i64, scratch_operands = 0 : i64, tpu.core_type = #tpu.core_type<tc>, window_params = [{transform_indices = @transform_0, window_bounds = array<i64: 3200, 128>}, {pipeline_mode = #tpu.pipeline_mode<synchronous>, transform_indices = @transform_1, window_bounds = array<i64: 128, 8>}, {transform_indices = @transform_2, window_bounds = array<i64: 3200, 8>}, {pipeline_mode = #tpu.pipeline_mode<synchronous>, transform_indices = @transform_3, window_bounds = array<i64: 1, 128>}]} {
    %get3A = arith.constant 0 : index
    %get3A_0 = arith.constant 0 : index
    %get3A_1 = vector.load %arg1[%get3A, %get3A_0] : memref<3200x128xf32, #tpu.memory_space<vmem>>, vector<3200x128xf32>
    %get3A_2 = arith.constant 0 : index
    %get3A_3 = arith.constant 0 : index
    %get3A_4 = vector.load %arg2[%get3A_2, %get3A_3] : memref<128x8xf32, #tpu.memory_space<vmem>>, vector<128x8xf32>
    %dot_general3A = arith.constant dense<0.000000e+00> : vector<3200x8xf32>
    %dot_general3A_5 = tpu.matmul %get3A_1, %get3A_4, %dot_general3A {dimension_numbers = #tpu.dot_dimension_numbers<[1], [0], [0], [1], [0, 0, 1, 1], [], []>, transpose_lhs_hint = false} : vector<3200x128xf32>, vector<128x8xf32>, vector<3200x8xf32> -> vector<3200x8xf32>
    %swap3A = arith.constant 0 : index
    %swap3A_6 = arith.constant 0 : index
    %swap3A_7 = vector.load %arg3[%swap3A, %swap3A_6] : memref<3200x8xf32, #tpu.memory_space<vmem>>, vector<3200x8xf32>
    tpu.vector_store %arg3[%swap3A, %swap3A_6], %dot_general3A_5 {strides = array<i32>} : memref<3200x8xf32, #tpu.memory_space<vmem>>, vector<3200x8xf32>,
    %eq3A = arith.constant 0 : i32
    %eq3A_8 = arith.cmpi eq, %arg0, %eq3A : i32
    %convert_element_type3A = arith.extui %eq3A_8 : i1 to i32
    %cond3A = arith.constant 0 : i32
    %cond3A_9 = arith.cmpi ne, %convert_element_type3A, %cond3A : i32
    scf.if %cond3A_9 {
      %broadcast_in_dim3A_17 = arith.constant 0.000000e+00 : f32
      %broadcast_in_dim3A_18 = vector.broadcast %broadcast_in_dim3A_17 : f32 to vector<1x128xf32>
      %swap3A_19 = arith.constant 0 : index
      %swap3A_20 = arith.constant 0 : index
      %swap3A_21 = vector.load %arg4[%swap3A_19, %swap3A_20] : memref<1x128xf32, #tpu.memory_space<vmem>>, vector<1x128xf32>
      tpu.vector_store %arg4[%swap3A_19, %swap3A_20], %broadcast_in_dim3A_18 {strides = array<i32>} : memref<1x128xf32, #tpu.memory_space<vmem>>, vector<1x128xf32>,
    } else {
    }
    %get3A_10 = arith.constant 0 : index
    %get3A_11 = arith.constant 0 : index
    %get3A_12 = vector.load %arg4[%get3A_10, %get3A_11] : memref<1x128xf32, #tpu.memory_space<vmem>>, vector<1x128xf32>
    %reduce_sum3A = arith.constant dense<0.000000e+00> : vector<128xf32>
    %reduce_sum3A_13 = vector.multi_reduction <add>, %get3A_1, %reduce_sum3A [0] : vector<3200x128xf32> to vector<128xf32>
    %broadcast_in_dim3A = vector.shape_cast %reduce_sum3A_13 : vector<128xf32> to vector<1x128xf32>
    %add3A = arith.addf %get3A_12, %broadcast_in_dim3A : vector<1x128xf32>
    %swap3A_14 = arith.constant 0 : index
    %swap3A_15 = arith.constant 0 : index
    %swap3A_16 = vector.load %arg4[%swap3A_14, %swap3A_15] : memref<1x128xf32, #tpu.memory_space<vmem>>, vector<1x128xf32>
    tpu.vector_store %arg4[%swap3A_14, %swap3A_15], %add3A {strides = array<i32>} : memref<1x128xf32, #tpu.memory_space<vmem>>, vector<1x128xf32>,
    return
  }
  func.func @transform_0(%arg0: i32) -> (i32, i32) {
    %c0_i32 = arith.constant 0 : i32
    %c0_i32_0 = arith.constant 0 : i32
    return %arg0, %c0_i32 : i32, i32
  }
  func.func @transform_1(%arg0: i32) -> (i32, i32) {
    %c0_i32 = arith.constant 0 : i32
    %c0_i32_0 = arith.constant 0 : i32
    %c0_i32_1 = arith.constant 0 : i32
    return %c0_i32, %c0_i32_0 : i32, i32
  }
  func.func @transform_2(%arg0: i32) -> (i32, i32) {
    %c0_i32 = arith.constant 0 : i32
    %c0_i32_0 = arith.constant 0 : i32
    return %arg0, %c0_i32 : i32, i32
  }
  func.func @transform_3(%arg0: i32) -> (i32, i32) {
    %c0_i32 = arith.constant 0 : i32
    %c0_i32_0 = arith.constant 0 : i32
    %c0_i32_1 = arith.constant 0 : i32
    return %c0_i32, %c0_i32_0 : i32, i32
  }
}

module attributes {stable_mosaic.version = 14 : i64} {
  func.func @_relu_mm_split_body(%arg0: i32, %arg1: memref<2x2048x64xf32, #tpu.memory_space<vmem>>, %arg2: memref<128x128xf32, #tpu.memory_space<vmem>>, %arg3: memref<2x2048x64xf32, #tpu.memory_space<vmem>>) attributes {dimension_semantics = [#tpu.dimension_semantics<arbitrary>], iteration_bounds = array<i64: 5>, scalar_prefetch = 0 : i64, scratch_operands = 0 : i64, tpu.core_type = #tpu.core_type<tc>, window_params = [{transform_indices = @transform_0, window_bounds = array<i64: 2, 2048, 64>}, {pipeline_mode = #tpu.pipeline_mode<synchronous>, transform_indices = @transform_1, window_bounds = array<i64: 128, 128>}, {transform_indices = @transform_2, window_bounds = array<i64: 2, 2048, 64>}]} {
    %get3A = arith.constant 0 : index
    %get3A_0 = arith.constant 0 : index
    %get3A_1 = arith.constant 0 : index
    %get3A_2 = vector.load %arg1[%get3A, %get3A_0, %get3A_1] : memref<2x2048x64xf32, #tpu.memory_space<vmem>>, vector<1x2048x64xf32>
    %get3A_3 = vector.shape_cast %get3A_2 : vector<1x2048x64xf32> to vector<2048x64xf32>
    %max3A = arith.constant 0.000000e+00 : f32
    %max3A_4 = vector.broadcast %max3A : f32 to vector<2048x64xf32>
    %max3A_5 = arith.maximumf %get3A_3, %max3A_4 : vector<2048x64xf32>
    %get3A_6 = arith.constant 1 : index
    %get3A_7 = arith.constant 0 : index
    %get3A_8 = arith.constant 0 : index
    %get3A_9 = vector.load %arg1[%get3A_6, %get3A_7, %get3A_8] : memref<2x2048x64xf32, #tpu.memory_space<vmem>>, vector<1x2048x64xf32>
    %get3A_10 = vector.shape_cast %get3A_9 : vector<1x2048x64xf32> to vector<2048x64xf32>
    %max3A_11 = arith.constant 0.000000e+00 : f32
    %max3A_12 = vector.broadcast %max3A_11 : f32 to vector<2048x64xf32>
    %max3A_13 = arith.maximumf %get3A_10, %max3A_12 : vector<2048x64xf32>
    %concatenate3A = tpu.concatenate %max3A_5, %max3A_13 in 1 : vector<2048x64xf32>, vector<2048x64xf32> -> vector<2048x128xf32>
    %get3A_14 = arith.constant 0 : index
    %get3A_15 = arith.constant 0 : index
    %get3A_16 = vector.load %arg2[%get3A_14, %get3A_15] : memref<128x128xf32, #tpu.memory_space<vmem>>, vector<128x128xf32>
    %dot_general3A = arith.constant dense<0.000000e+00> : vector<2048x128xf32>
    %dot_general3A_17 = tpu.matmul %concatenate3A, %get3A_16, %dot_general3A {dimension_numbers = #tpu.dot_dimension_numbers<[1], [0], [0], [1], [0, 0, 1, 1], [], []>, transpose_lhs_hint = false} : vector<2048x128xf32>, vector<128x128xf32>, vector<2048x128xf32> -> vector<2048x128xf32>
    %slice3A = vector.extract_strided_slice %dot_general3A_17 {offsets = [0, 0], sizes = [2048, 64], strides = [1, 1]} : vector<2048x128xf32> to vector<2048x64xf32>
    %swap3A = arith.constant 0 : index
    %swap3A_18 = arith.constant 0 : index
    %swap3A_19 = arith.constant 0 : index
    %swap3A_20 = vector.load %arg3[%swap3A, %swap3A_18, %swap3A_19] : memref<2x2048x64xf32, #tpu.memory_space<vmem>>, vector<1x2048x64xf32>
    %swap3A_21 = vector.shape_cast %swap3A_20 : vector<1x2048x64xf32> to vector<2048x64xf32>
    %swap3A_22 = vector.shape_cast %slice3A : vector<2048x64xf32> to vector<1x2048x64xf32>
    tpu.vector_store %arg3[%swap3A, %swap3A_18, %swap3A_19], %swap3A_22 {strides = array<i32>} : memref<2x2048x64xf32, #tpu.memory_space<vmem>>, vector<1x2048x64xf32>,
    %slice3A_23 = vector.extract_strided_slice %dot_general3A_17 {offsets = [0, 64], sizes = [2048, 64], strides = [1, 1]} : vector<2048x128xf32> to vector<2048x64xf32>
    %swap3A_24 = arith.constant 1 : index
    %swap3A_25 = arith.constant 0 : index
    %swap3A_26 = arith.constant 0 : index
    %swap3A_27 = vector.load %arg3[%swap3A_24, %swap3A_25, %swap3A_26] : memref<2x2048x64xf32, #tpu.memory_space<vmem>>, vector<1x2048x64xf32>
    %swap3A_28 = vector.shape_cast %swap3A_27 : vector<1x2048x64xf32> to vector<2048x64xf32>
    %swap3A_29 = vector.shape_cast %slice3A_23 : vector<2048x64xf32> to vector<1x2048x64xf32>
    tpu.vector_store %arg3[%swap3A_24, %swap3A_25, %swap3A_26], %swap3A_29 {strides = array<i32>} : memref<2x2048x64xf32, #tpu.memory_space<vmem>>, vector<1x2048x64xf32>,
    return
  }
  func.func @transform_0(%arg0: i32) -> (i32, i32, i32) {
    %c0_i32 = arith.constant 0 : i32
    %c0_i32_0 = arith.constant 0 : i32
    %c0_i32_1 = arith.constant 0 : i32
    return %c0_i32, %arg0, %c0_i32_0 : i32, i32, i32
  }
  func.func @transform_1(%arg0: i32) -> (i32, i32) {
    %c0_i32 = arith.constant 0 : i32
    %c0_i32_0 = arith.constant 0 : i32
    %c0_i32_1 = arith.constant 0 : i32
    return %c0_i32, %c0_i32_0 : i32, i32
  }
  func.func @transform_2(%arg0: i32) -> (i32, i32, i32) {
    %c0_i32 = arith.constant 0 : i32
    %c0_i32_0 = arith.constant 0 : i32
    %c0_i32_1 = arith.constant 0 : i32
    return %c0_i32, %arg0, %c0_i32_0 : i32, i32, i32
  }
}

module attributes {stable_mosaic.version = 14 : i64} {
  func.func @_final_body(%arg0: i32, %arg1: memref<2x2048x8xf32, #tpu.memory_space<vmem>>, %arg2: memref<2x2048x64xf32, #tpu.memory_space<vmem>>, %arg3: memref<1x128xf32, #tpu.memory_space<vmem>>, %arg4: memref<128x2xf32, #tpu.memory_space<vmem>>, %arg5: memref<1x2xf32, #tpu.memory_space<vmem>>, %arg6: memref<128x2xf32, #tpu.memory_space<vmem>>, %arg7: memref<1x2xf32, #tpu.memory_space<vmem>>, %arg8: memref<8x2xf32, #tpu.memory_space<vmem>>, %arg9: memref<1x2xf32, #tpu.memory_space<vmem>>, %arg10: memref<1x2xf32, #tpu.memory_space<vmem>>, %arg11: memref<1x128xf32, #tpu.memory_space<vmem>>, %arg12: memref<1x8xf32, #tpu.memory_space<vmem>>) attributes {dimension_semantics = [#tpu.dimension_semantics<arbitrary>], iteration_bounds = array<i64: 85>, scalar_prefetch = 0 : i64, scratch_operands = 2 : i64, tpu.core_type = #tpu.core_type<tc>, window_params = [{transform_indices = @transform_0, window_bounds = array<i64: 2, 2048, 8>}, {transform_indices = @transform_1, window_bounds = array<i64: 2, 2048, 64>}, {pipeline_mode = #tpu.pipeline_mode<synchronous>, transform_indices = @transform_2, window_bounds = array<i64: 1, 128>}, {pipeline_mode = #tpu.pipeline_mode<synchronous>, transform_indices = @transform_3, window_bounds = array<i64: 128, 2>}, {pipeline_mode = #tpu.pipeline_mode<synchronous>, transform_indices = @transform_4, window_bounds = array<i64: 1, 2>}, {pipeline_mode = #tpu.pipeline_mode<synchronous>, transform_indices = @transform_5, window_bounds = array<i64: 128, 2>}, {pipeline_mode = #tpu.pipeline_mode<synchronous>, transform_indices = @transform_6, window_bounds = array<i64: 1, 2>}, {pipeline_mode = #tpu.pipeline_mode<synchronous>, transform_indices = @transform_7, window_bounds = array<i64: 8, 2>}, {pipeline_mode = #tpu.pipeline_mode<synchronous>, transform_indices = @transform_8, window_bounds = array<i64: 1, 2>}, {pipeline_mode = #tpu.pipeline_mode<synchronous>, transform_indices = @transform_9, window_bounds = array<i64: 1, 2>}]} {
    %eq3A = arith.constant 0 : i32
    %eq3A_0 = arith.cmpi eq, %arg0, %eq3A : i32
    %convert_element_type3A = arith.extui %eq3A_0 : i1 to i32
    %cond3A = arith.constant 0 : i32
    %cond3A_1 = arith.cmpi ne, %convert_element_type3A, %cond3A : i32
    scf.if %cond3A_1 {
      %broadcast_in_dim3A = arith.constant 0.000000e+00 : f32
      %broadcast_in_dim3A_15 = vector.broadcast %broadcast_in_dim3A : f32 to vector<1x128xf32>
      %swap3A = arith.constant 0 : index
      %swap3A_16 = arith.constant 0 : index
      %swap3A_17 = vector.load %arg11[%swap3A, %swap3A_16] : memref<1x128xf32, #tpu.memory_space<vmem>>, vector<1x128xf32>
      tpu.vector_store %arg11[%swap3A, %swap3A_16], %broadcast_in_dim3A_15 {strides = array<i32>} : memref<1x128xf32, #tpu.memory_space<vmem>>, vector<1x128xf32>,
      %broadcast_in_dim3A_18 = arith.constant 0.000000e+00 : f32
      %broadcast_in_dim3A_19 = vector.broadcast %broadcast_in_dim3A_18 : f32 to vector<1x8xf32>
      %swap3A_20 = arith.constant 0 : index
      %swap3A_21 = arith.constant 0 : index
      %swap3A_22 = vector.load %arg12[%swap3A_20, %swap3A_21] : memref<1x8xf32, #tpu.memory_space<vmem>>, vector<1x8xf32>
      tpu.vector_store %arg12[%swap3A_20, %swap3A_21], %broadcast_in_dim3A_19 {strides = array<i32>} : memref<1x8xf32, #tpu.memory_space<vmem>>, vector<1x8xf32>,
    } else {
    }
    %lt3A = arith.constant 80 : i32
    %lt3A_2 = arith.cmpi slt, %arg0, %lt3A : i32
    %convert_element_type3A_3 = arith.extui %lt3A_2 : i1 to i32
    %cond3A_4 = arith.constant 0 : i32
    %cond3A_5 = arith.cmpi ne, %convert_element_type3A_3, %cond3A_4 : i32
    scf.if %cond3A_5 {
      %mul3A = arith.constant 2048 : i32
      %mul3A_15 = arith.muli %arg0, %mul3A : i32
      %iota3A = tpu.iota {dimensions = array<i32: 0>} : vector<2048x1xi32>
      %add3A = vector.broadcast %mul3A_15 : i32 to vector<2048x1xi32>
      %add3A_16 = arith.addi %add3A, %iota3A : vector<2048x1xi32>
      %get3A = arith.constant 0 : index
      %get3A_17 = arith.constant 0 : index
      %get3A_18 = arith.constant 0 : index
      %get3A_19 = vector.load %arg1[%get3A, %get3A_17, %get3A_18] : memref<2x2048x8xf32, #tpu.memory_space<vmem>>, vector<1x2048x8xf32>
      %get3A_20 = vector.shape_cast %get3A_19 : vector<1x2048x8xf32> to vector<2048x8xf32>
      %get3A_21 = arith.constant 1 : index
      %get3A_22 = arith.constant 0 : index
      %get3A_23 = arith.constant 0 : index
      %get3A_24 = vector.load %arg1[%get3A_21, %get3A_22, %get3A_23] : memref<2x2048x8xf32, #tpu.memory_space<vmem>>, vector<1x2048x8xf32>
      %get3A_25 = vector.shape_cast %get3A_24 : vector<1x2048x8xf32> to vector<2048x8xf32>
      %add3A_26 = arith.addf %get3A_20, %get3A_25 : vector<2048x8xf32>
      %max3A = arith.constant 0.000000e+00 : f32
      %max3A_27 = vector.broadcast %max3A : f32 to vector<2048x8xf32>
      %max3A_28 = arith.maximumf %add3A_26, %max3A_27 : vector<2048x8xf32>
      %lt3A_29 = arith.constant 160000 : i32
      %lt3A_30 = vector.broadcast %lt3A_29 : i32 to vector<2048x1xi32>
      %lt3A_31 = arith.cmpi slt, %add3A_16, %lt3A_30 : vector<2048x1xi32>
      %jit3A = arith.constant 0.000000e+00 : f32
      %broadcast_in_dim3A = vector.shape_cast %lt3A_31 : vector<2048x1xi1> to vector<2048x1xi1>
      %broadcast_in_dim3A_32 = vector.broadcast %broadcast_in_dim3A : vector<2048x1xi1> to vector<2048x8xi1>
      %broadcast_in_dim3A_33 = vector.broadcast %jit3A : f32 to vector<2048x8xf32>
      %select_n3A = arith.select %broadcast_in_dim3A_32, %max3A_28, %broadcast_in_dim3A_33 : vector<2048x8xi1>, vector<2048x8xf32>
      %get3A_34 = arith.constant 0 : index
      %get3A_35 = arith.constant 0 : index
      %get3A_36 = vector.load %arg12[%get3A_34, %get3A_35] : memref<1x8xf32, #tpu.memory_space<vmem>>, vector<1x8xf32>
      %reduce_sum3A = arith.constant dense<0.000000e+00> : vector<8xf32>
      %reduce_sum3A_37 = vector.multi_reduction <add>, %select_n3A, %reduce_sum3A [0] : vector<2048x8xf32> to vector<8xf32>
      %broadcast_in_dim3A_38 = vector.shape_cast %reduce_sum3A_37 : vector<8xf32> to vector<1x8xf32>
      %add3A_39 = arith.addf %get3A_36, %broadcast_in_dim3A_38 : vector<1x8xf32>
      %swap3A = arith.constant 0 : index
      %swap3A_40 = arith.constant 0 : index
      %swap3A_41 = vector.load %arg12[%swap3A, %swap3A_40] : memref<1x8xf32, #tpu.memory_space<vmem>>, vector<1x8xf32>
      tpu.vector_store %arg12[%swap3A, %swap3A_40], %add3A_39 {strides = array<i32>} : memref<1x8xf32, #tpu.memory_space<vmem>>, vector<1x8xf32>,
    } else {
    }
    %ge3A = arith.constant 80 : i32
    %ge3A_6 = arith.cmpi sge, %arg0, %ge3A : i32
    %convert_element_type3A_7 = arith.extui %ge3A_6 : i1 to i32
    %cond3A_8 = arith.constant 0 : i32
    %cond3A_9 = arith.cmpi ne, %convert_element_type3A_7, %cond3A_8 : i32
    scf.if %cond3A_9 {
      %sub3A = arith.constant 80 : i32
      %sub3A_15 = arith.subi %arg0, %sub3A : i32
      %mul3A = arith.constant 2048 : i32
      %mul3A_16 = arith.muli %sub3A_15, %mul3A : i32
      %iota3A = tpu.iota {dimensions = array<i32: 0>} : vector<2048x1xi32>
      %add3A = vector.broadcast %mul3A_16 : i32 to vector<2048x1xi32>
      %add3A_17 = arith.addi %add3A, %iota3A : vector<2048x1xi32>
      %lt3A_18 = arith.constant 10000 : i32
      %lt3A_19 = vector.broadcast %lt3A_18 : i32 to vector<2048x1xi32>
      %lt3A_20 = arith.cmpi slt, %add3A_17, %lt3A_19 : vector<2048x1xi32>
      %get3A = arith.constant 0 : index
      %get3A_21 = arith.constant 0 : index
      %get3A_22 = arith.constant 0 : index
      %get3A_23 = vector.load %arg2[%get3A, %get3A_21, %get3A_22] : memref<2x2048x64xf32, #tpu.memory_space<vmem>>, vector<1x2048x64xf32>
      %get3A_24 = vector.shape_cast %get3A_23 : vector<1x2048x64xf32> to vector<2048x64xf32>
      %max3A = arith.constant 0.000000e+00 : f32
      %max3A_25 = vector.broadcast %max3A : f32 to vector<2048x64xf32>
      %max3A_26 = arith.maximumf %get3A_24, %max3A_25 : vector<2048x64xf32>
      %jit3A = arith.constant 0.000000e+00 : f32
      %broadcast_in_dim3A = vector.shape_cast %lt3A_20 : vector<2048x1xi1> to vector<2048x1xi1>
      %broadcast_in_dim3A_27 = vector.broadcast %broadcast_in_dim3A : vector<2048x1xi1> to vector<2048x64xi1>
      %broadcast_in_dim3A_28 = vector.broadcast %jit3A : f32 to vector<2048x64xf32>
      %select_n3A = arith.select %broadcast_in_dim3A_27, %max3A_26, %broadcast_in_dim3A_28 : vector<2048x64xi1>, vector<2048x64xf32>
      %get3A_29 = arith.constant 1 : index
      %get3A_30 = arith.constant 0 : index
      %get3A_31 = arith.constant 0 : index
      %get3A_32 = vector.load %arg2[%get3A_29, %get3A_30, %get3A_31] : memref<2x2048x64xf32, #tpu.memory_space<vmem>>, vector<1x2048x64xf32>
      %get3A_33 = vector.shape_cast %get3A_32 : vector<1x2048x64xf32> to vector<2048x64xf32>
      %max3A_34 = arith.constant 0.000000e+00 : f32
      %max3A_35 = vector.broadcast %max3A_34 : f32 to vector<2048x64xf32>
      %max3A_36 = arith.maximumf %get3A_33, %max3A_35 : vector<2048x64xf32>
      %jit3A_37 = arith.constant 0.000000e+00 : f32
      %broadcast_in_dim3A_38 = vector.shape_cast %lt3A_20 : vector<2048x1xi1> to vector<2048x1xi1>
      %broadcast_in_dim3A_39 = vector.broadcast %broadcast_in_dim3A_38 : vector<2048x1xi1> to vector<2048x64xi1>
      %broadcast_in_dim3A_40 = vector.broadcast %jit3A_37 : f32 to vector<2048x64xf32>
      %select_n3A_41 = arith.select %broadcast_in_dim3A_39, %max3A_36, %broadcast_in_dim3A_40 : vector<2048x64xi1>, vector<2048x64xf32>
      %get3A_42 = arith.constant 0 : index
      %get3A_43 = arith.constant 0 : index
      %get3A_44 = vector.load %arg11[%get3A_42, %get3A_43] : memref<1x128xf32, #tpu.memory_space<vmem>>, vector<1x64xf32>
      %get3A_45 = vector.shape_cast %get3A_44 : vector<1x64xf32> to vector<64xf32>
      %reduce_sum3A = arith.constant dense<0.000000e+00> : vector<64xf32>
      %reduce_sum3A_46 = vector.multi_reduction <add>, %select_n3A, %reduce_sum3A [0] : vector<2048x64xf32> to vector<64xf32>
      %add3A_47 = arith.addf %get3A_45, %reduce_sum3A_46 : vector<64xf32>
      %swap3A = arith.constant 0 : index
      %swap3A_48 = arith.constant 0 : index
      %swap3A_49 = vector.load %arg11[%swap3A, %swap3A_48] : memref<1x128xf32, #tpu.memory_space<vmem>>, vector<1x64xf32>
      %swap3A_50 = vector.shape_cast %swap3A_49 : vector<1x64xf32> to vector<64xf32>
      %swap3A_51 = vector.shape_cast %add3A_47 : vector<64xf32> to vector<1x64xf32>
      tpu.vector_store %arg11[%swap3A, %swap3A_48], %swap3A_51 {strides = array<i32>} : memref<1x128xf32, #tpu.memory_space<vmem>>, vector<1x64xf32>,
      %get3A_52 = arith.constant 0 : index
      %get3A_53 = arith.constant 64 : index
      %get3A_54 = vector.load %arg11[%get3A_52, %get3A_53] : memref<1x128xf32, #tpu.memory_space<vmem>>, vector<1x64xf32>
      %get3A_55 = vector.shape_cast %get3A_54 : vector<1x64xf32> to vector<64xf32>
      %reduce_sum3A_56 = arith.constant dense<0.000000e+00> : vector<64xf32>
      %reduce_sum3A_57 = vector.multi_reduction <add>, %select_n3A_41, %reduce_sum3A_56 [0] : vector<2048x64xf32> to vector<64xf32>
      %add3A_58 = arith.addf %get3A_55, %reduce_sum3A_57 : vector<64xf32>
      %swap3A_59 = arith.constant 0 : index
      %swap3A_60 = arith.constant 64 : index
      %swap3A_61 = vector.load %arg11[%swap3A_59, %swap3A_60] : memref<1x128xf32, #tpu.memory_space<vmem>>, vector<1x64xf32>
      %swap3A_62 = vector.shape_cast %swap3A_61 : vector<1x64xf32> to vector<64xf32>
      %swap3A_63 = vector.shape_cast %add3A_58 : vector<64xf32> to vector<1x64xf32>
      tpu.vector_store %arg11[%swap3A_59, %swap3A_60], %swap3A_63 {strides = array<i32>} : memref<1x128xf32, #tpu.memory_space<vmem>>, vector<1x64xf32>,
    } else {
    }
    %eq3A_10 = arith.constant 84 : i32
    %eq3A_11 = arith.cmpi eq, %arg0, %eq3A_10 : i32
    %convert_element_type3A_12 = arith.extui %eq3A_11 : i1 to i32
    %cond3A_13 = arith.constant 0 : i32
    %cond3A_14 = arith.cmpi ne, %convert_element_type3A_12, %cond3A_13 : i32
    scf.if %cond3A_14 {
      %get3A = arith.constant 0 : index
      %get3A_15 = arith.constant 0 : index
      %get3A_16 = vector.load %arg11[%get3A, %get3A_15] : memref<1x128xf32, #tpu.memory_space<vmem>>, vector<1x128xf32>
      %mul3A = arith.constant 9.99999974E-5 : f32
      %mul3A_17 = vector.broadcast %mul3A : f32 to vector<1x128xf32>
      %mul3A_18 = arith.mulf %get3A_16, %mul3A_17 : vector<1x128xf32>
      %get3A_19 = arith.constant 0 : index
      %get3A_20 = arith.constant 0 : index
      %get3A_21 = vector.load %arg3[%get3A_19, %get3A_20] : memref<1x128xf32, #tpu.memory_space<vmem>>, vector<1x128xf32>
      %mul3A_22 = arith.constant 6.250000e-06 : f32
      %mul3A_23 = vector.broadcast %mul3A_22 : f32 to vector<1x128xf32>
      %mul3A_24 = arith.mulf %get3A_21, %mul3A_23 : vector<1x128xf32>
      %get3A_25 = arith.constant 0 : index
      %get3A_26 = arith.constant 0 : index
      %get3A_27 = vector.load %arg12[%get3A_25, %get3A_26] : memref<1x8xf32, #tpu.memory_space<vmem>>, vector<1x8xf32>
      %mul3A_28 = arith.constant 6.250000e-06 : f32
      %mul3A_29 = vector.broadcast %mul3A_28 : f32 to vector<1x8xf32>
      %mul3A_30 = arith.mulf %get3A_27, %mul3A_29 : vector<1x8xf32>
      %get3A_31 = arith.constant 0 : index
      %get3A_32 = arith.constant 0 : index
      %get3A_33 = vector.load %arg4[%get3A_31, %get3A_32] : memref<128x2xf32, #tpu.memory_space<vmem>>, vector<128x2xf32>
      %dot_general3A = arith.constant dense<0.000000e+00> : vector<1x2xf32>
      %dot_general3A_34 = tpu.matmul %mul3A_18, %get3A_33, %dot_general3A {dimension_numbers = #tpu.dot_dimension_numbers<[1], [0], [0], [1], [0, 0, 1, 1], [], []>, transpose_lhs_hint = false} : vector<1x128xf32>, vector<128x2xf32>, vector<1x2xf32> -> vector<1x2xf32>
      %get3A_35 = arith.constant 0 : index
      %get3A_36 = arith.constant 0 : index
      %get3A_37 = vector.load %arg5[%get3A_35, %get3A_36] : memref<1x2xf32, #tpu.memory_space<vmem>>, vector<1x2xf32>
      %add3A = arith.addf %dot_general3A_34, %get3A_37 : vector<1x2xf32>
      %get3A_38 = arith.constant 0 : index
      %get3A_39 = arith.constant 0 : index
      %get3A_40 = vector.load %arg6[%get3A_38, %get3A_39] : memref<128x2xf32, #tpu.memory_space<vmem>>, vector<128x2xf32>
      %dot_general3A_41 = arith.constant dense<0.000000e+00> : vector<1x2xf32>
      %dot_general3A_42 = tpu.matmul %mul3A_24, %get3A_40, %dot_general3A_41 {dimension_numbers = #tpu.dot_dimension_numbers<[1], [0], [0], [1], [0, 0, 1, 1], [], []>, transpose_lhs_hint = false} : vector<1x128xf32>, vector<128x2xf32>, vector<1x2xf32> -> vector<1x2xf32>
      %add3A_43 = arith.addf %add3A, %dot_general3A_42 : vector<1x2xf32>
      %get3A_44 = arith.constant 0 : index
      %get3A_45 = arith.constant 0 : index
      %get3A_46 = vector.load %arg7[%get3A_44, %get3A_45] : memref<1x2xf32, #tpu.memory_space<vmem>>, vector<1x2xf32>
      %add3A_47 = arith.addf %add3A_43, %get3A_46 : vector<1x2xf32>
      %get3A_48 = arith.constant 0 : index
      %get3A_49 = arith.constant 0 : index
      %get3A_50 = vector.load %arg8[%get3A_48, %get3A_49] : memref<8x2xf32, #tpu.memory_space<vmem>>, vector<8x2xf32>
      %dot_general3A_51 = arith.constant dense<0.000000e+00> : vector<1x2xf32>
      %dot_general3A_52 = tpu.matmul %mul3A_30, %get3A_50, %dot_general3A_51 {dimension_numbers = #tpu.dot_dimension_numbers<[1], [0], [0], [1], [0, 0, 1, 1], [], []>, transpose_lhs_hint = false} : vector<1x8xf32>, vector<8x2xf32>, vector<1x2xf32> -> vector<1x2xf32>
      %add3A_53 = arith.addf %add3A_47, %dot_general3A_52 : vector<1x2xf32>
      %get3A_54 = arith.constant 0 : index
      %get3A_55 = arith.constant 0 : index
      %get3A_56 = vector.load %arg9[%get3A_54, %get3A_55] : memref<1x2xf32, #tpu.memory_space<vmem>>, vector<1x2xf32>
      %add3A_57 = arith.addf %add3A_53, %get3A_56 : vector<1x2xf32>
      %swap3A = arith.constant 0 : index
      %swap3A_58 = arith.constant 0 : index
      %swap3A_59 = vector.load %arg10[%swap3A, %swap3A_58] : memref<1x2xf32, #tpu.memory_space<vmem>>, vector<1x2xf32>
      tpu.vector_store %arg10[%swap3A, %swap3A_58], %add3A_57 {strides = array<i32>} : memref<1x2xf32, #tpu.memory_space<vmem>>, vector<1x2xf32>,
    } else {
    }
    return
  }
  func.func @transform_0(%arg0: i32) -> (i32, i32, i32) {
    %min3A = arith.constant 79 : i32
    %min3A_0 = arith.minsi %arg0, %min3A : i32
    %c0_i32 = arith.constant 0 : i32
    %c0_i32_1 = arith.constant 0 : i32
    %c0_i32_2 = arith.constant 0 : i32
    return %c0_i32, %min3A_0, %c0_i32_1 : i32, i32, i32
  }
  func.func @transform_1(%arg0: i32) -> (i32, i32, i32) {
    %sub3A = arith.constant 80 : i32
    %sub3A_0 = arith.subi %arg0, %sub3A : i32
    %max3A = arith.constant 0 : i32
    %max3A_1 = arith.maxsi %sub3A_0, %max3A : i32
    %c0_i32 = arith.constant 0 : i32
    %c0_i32_2 = arith.constant 0 : i32
    %c0_i32_3 = arith.constant 0 : i32
    return %c0_i32, %max3A_1, %c0_i32_2 : i32, i32, i32
  }
  func.func @transform_2(%arg0: i32) -> (i32, i32) {
    %c0_i32 = arith.constant 0 : i32
    %c0_i32_0 = arith.constant 0 : i32
    %c0_i32_1 = arith.constant 0 : i32
    return %c0_i32, %c0_i32_0 : i32, i32
  }
  func.func @transform_3(%arg0: i32) -> (i32, i32) {
    %c0_i32 = arith.constant 0 : i32
    %c0_i32_0 = arith.constant 0 : i32
    %c0_i32_1 = arith.constant 0 : i32
    return %c0_i32, %c0_i32_0 : i32, i32
  }
  func.func @transform_4(%arg0: i32) -> (i32, i32) {
    %c0_i32 = arith.constant 0 : i32
    %c0_i32_0 = arith.constant 0 : i32
    %c0_i32_1 = arith.constant 0 : i32
    return %c0_i32, %c0_i32_0 : i32, i32
  }
  func.func @transform_5(%arg0: i32) -> (i32, i32) {
    %c0_i32 = arith.constant 0 : i32
    %c0_i32_0 = arith.constant 0 : i32
    %c0_i32_1 = arith.constant 0 : i32
    return %c0_i32, %c0_i32_0 : i32, i32
  }
  func.func @transform_6(%arg0: i32) -> (i32, i32) {
    %c0_i32 = arith.constant 0 : i32
    %c0_i32_0 = arith.constant 0 : i32
    %c0_i32_1 = arith.constant 0 : i32
    return %c0_i32, %c0_i32_0 : i32, i32
  }
  func.func @transform_7(%arg0: i32) -> (i32, i32) {
    %c0_i32 = arith.constant 0 : i32
    %c0_i32_0 = arith.constant 0 : i32
    %c0_i32_1 = arith.constant 0 : i32
    return %c0_i32, %c0_i32_0 : i32, i32
  }
  func.func @transform_8(%arg0: i32) -> (i32, i32) {
    %c0_i32 = arith.constant 0 : i32
    %c0_i32_0 = arith.constant 0 : i32
    %c0_i32_1 = arith.constant 0 : i32
    return %c0_i32, %c0_i32_0 : i32, i32
  }
  func.func @transform_9(%arg0: i32) -> (i32, i32) {
    %c0_i32 = arith.constant 0 : i32
    %c0_i32_0 = arith.constant 0 : i32
    %c0_i32_1 = arith.constant 0 : i32
    return %c0_i32, %c0_i32_0 : i32, i32
  }
}

</mosaic_0001>

<sc_bundles>
// kernel: kernel.12.cloned.1.call-start
scs
__scs_entry_jumppad:
0x0: {  	(pc) =	sbr.rel $0x88, $3  }
0x1: {  	(tag) =	ssettag $0x0;
	lr =	simm.s32 $0x1  }
0x2: {  	[smem:$0x3F94] =	sst lr;
	_ =	strace $0xD0000000  }
0x3: {  	_ = 	snop  }
0x4: {  	_ = 	snop  }
0x5: {  	_ = 	snop  }
0x6: {  	_ = 	snop  }
0x7: {  	_ = 	snop  }
__scs_overlays_trampoline_lowered:
0x8: {  	[smem:$0x3FA3] =	sst s0  }
0x9: {  	[smem:$0x3FA4] =	sst s1  }
0xa: {  	[smem:$0x3FA5] =	sst s2  }
0xb: {  	[smem:$0x3FA6] =	sst s3  }
0xc: {  	[smem:$0x3FA7] =	sst s4  }
0xd: {  	[smem:$0x3FA8] =	sst s5  }
0xe: {  	[smem:$0x3FA9] =	sst s6  }
0xf: {  	[smem:$0x3FAA] =	sst s7  }
0x10: {  	[smem:$0x3FAB] =	sst s8  }
0x11: {  	[smem:$0x3FAC] =	sst s9;
	s0 =	simm.s32 @!p0 $0x0  }
0x12: {  	s1 =	sld [smem:$0x3F92];
	s0 =	simm.s32 @p0 $0x1  }
0x13: {  	[smem:$0x3FAD] =	sst s0;
	s0 =	simm.s32 @!p1 $0x0  }
0x14: {  	s2 =	sld [smem:$0x3F91];
	s0 =	simm.s32 @p1 $0x1  }
0x15: {  	[smem:$0x3FAE] =	sst s0;
	s0 =	simm.s32 @!p2 $0x0  }
0x16: {  	s3 =	sld [smem:$0x3FDB];
	s0 =	simm.s32 @p2 $0x1  }
0x17: {  	s4 =	simm.s32 $0x1BF5;
	[smem:$0x3FB0] =	sst s0  }
0x18: {  	s0 =	sld [smem:$0x3F93];
	_ =	swait.ge [sflag:s4], $0x0  }
0x19: {  	s7 =	sld [smem:$0x3F94]  }
0x1a: {  	s8 =	sadd.s32 $0xFFFFE003, lr  }
0x1b: {  	s9 =	sadd.s32 $0xFFFFFEF7, lr;
	s5 =	simm.s32 $0xFFFFFFFF;
	p2 =	slt.u32 s8, $0xFFFFF086  }
0x1c: {  	p1 =	slt.u32 s9, $0xF7A;
	s5 =	simm.s32 @!p2 $0x0  }
0x1d: {  	s5 =	simm.s32 @p1 $0x1;
	p0 =	seq.s32 s7, s2  }
0x1e: {  	s7 =	smul.u32 @!p0 $0xF7A, s2;
	p2 =	seq.s32 @!p0 s5, $0x0  }
0x1f: {  	s9 =	smul.u32 $0xF7A, s1;
	s8 =	simm.s32 @!p0 $0x1BF5;
	p2 =	por !p2, p0  }
0x20: {  	[sflag:s8] =	ssyncset.s32 @!p0 $0xFFFFF086;
	s6 =	sadd.s32 @!p0 s3, s7;
	s7 =	simm.s32 @!p0 $0x108  }
0x21: {  	s3 =	sadd.s32 s3, s9;
	s6 =	sadd.s32 @!p0 $0x88, s6;
	s7 =	simm.s32 @p2 $0x1082  }
0x22: {  	[simem:s7], [sflag:s8] =	dma.local @!p0 [hbm:s6], $0xF7A  }
0x23: {  	s9 =	sor.u32 $0xD0000000, s2;
	s6 =	simm.s32 $0x108;
	_ =	swait.ge @!p0 [sflag:s8], $0x0  }
0x24: {  	s3 =	sadd.s32 $0x88, s3;
	s6 =	simm.s32 @!p1 $0x1082;
	[sflag:s4] =	ssyncset.s32 $0xFFFFF086  }
0x25: {  	[simem:s6], [sflag:s4] =	dma.local [hbm:s3], $0xF7A  }
0x26: {  	[smem:$0x3F94] =	sst s1;
	(tag) =	ssettag s2;
	_ =	strace s9  }
0x27: {  	s1 =	sld [smem:$0x3FA4]  }
0x28: {  	s2 =	sld [smem:$0x3FA5]  }
0x29: {  	s4 =	sld [smem:$0x3FA7]  }
0x2a: {  	p0 =	seq.s32 s5, $0x0;
	s5 =	sld [smem:$0x3FA8]  }
0x2b: {  	s6 =	sld [smem:$0x3FA9]  }
0x2c: {  	s7 =	sld [smem:$0x3FAA]  }
0x2d: {  	s3 =	simm.s32 $0x108;
	s8 =	sld [smem:$0x3FAB]  }
0x2e: {  	s3 =	simm.s32 @!p0 $0x1082;
	s9 =	sld [smem:$0x3FAC]  }
0x2f: {  	lr =	sadd.s32 s0, s3;
	s0 =	sld [smem:$0x3FA3]  }
0x30: {  	s3 =	sld [smem:$0x3FA6]  }
0x31: {  	[smem:$0x3FAF] =	sst s10  }
0x32: {  	s10 =	sld [smem:$0x3FAD];
	_ =	sdelay $0x3  }
0x33: {  	p0 =	seq.s32 s10, $0x1;
	s10 =	sld [smem:$0x3FAF];
	_ =	sdelay $0x3  }
0x34: {  	[smem:$0x3FAF] =	sst s10  }
0x35: {  	s10 =	sld [smem:$0x3FAE];
	_ =	sdelay $0x3  }
0x36: {  	p1 =	seq.s32 s10, $0x1;
	s10 =	sld [smem:$0x3FAF];
	_ =	sdelay $0x3  }
0x37: {  	[smem:$0x3FAF] =	sst s10  }
0x38: {  	s10 =	sld [smem:$0x3FB0]  }
0x39: {  	_ = 	snop;
	(pc) =	sbr.ind lr, $3  }
0x3a: {  	_ = 	snop  }
0x3b: {  	_ = 	snop  }
0x3c: {  	p2 =	seq.s32 s10, $0x1;
	s10 =	sld [smem:$0x3FAF]  }
0x3d: {  	_ =	shalt  }
0x3e: {  	_ =	shalt  }
0x3f: {  	_ =	shalt  }
0x40: {  	_ =	shalt  }
0x41: {  	_ =	shalt  }
0x42: {  	_ =	shalt  }
0x43: {  	_ =	shalt  }
0x44: {  	_ =	shalt  }
0x45: {  	_ =	shalt  }
0x46: {  	_ =	shalt  }
0x47: {  	_ =	shalt  }
0x48: {  	_ =	shalt  }
0x49: {  	_ =	shalt  }
0x4a: {  	_ =	shalt  }
0x4b: {  	_ =	shalt  }
0x4c: {  	_ =	shalt  }
0x4d: {  	_ =	shalt  }
0x4e: {  	_ =	shalt  }
0x4f: {  	_ =	shalt  }
0x50: {  	_ =	shalt  }
0x51: {  	_ =	shalt  }
0x52: {  	_ =	shalt  }
0x53: {  	_ =	shalt  }
0x54: {  	_ =	shalt  }
0x55: {  	_ =	shalt  }
0x56: {  	_ =	shalt  }
0x57: {  	_ =	shalt  }
0x58: {  	_ =	shalt  }
0x59: {  	_ =	shalt  }
0x5a: {  	_ =	shalt  }
0x5b: {  	_ =	shalt  }
0x5c: {  	_ =	shalt  }
0x5d: {  	_ =	shalt  }
0x5e: {  	_ =	shalt  }
0x5f: {  	_ =	shalt  }
0x60: {  	_ =	shalt  }
0x61: {  	_ =	shalt  }
0x62: {  	_ =	shalt  }
0x63: {  	_ =	shalt  }
0x64: {  	_ =	shalt  }
0x65: {  	_ =	shalt  }
0x66: {  	_ =	shalt  }
0x67: {  	_ =	shalt  }
0x68: {  	_ =	shalt  }
0x69: {  	_ =	shalt  }
0x6a: {  	_ =	shalt  }
0x6b: {  	_ =	shalt  }
0x6c: {  	_ =	shalt  }
0x6d: {  	_ =	shalt  }
0x6e: {  	_ =	shalt  }
0x6f: {  	_ =	shalt  }
0x70: {  	_ =	shalt  }
0x71: {  	_ =	shalt  }
0x72: {  	_ =	shalt  }
0x73: {  	_ =	shalt  }
0x74: {  	_ =	shalt  }
0x75: {  	_ =	shalt  }
0x76: {  	_ =	shalt  }
0x77: {  	_ =	shalt  }
0x78: {  	_ =	shalt  }
0x79: {  	_ =	shalt  }
0x7a: {  	_ =	shalt  }
0x7b: {  	_ =	shalt  }
0x7c: {  	_ =	shalt  }
0x7d: {  	_ =	shalt  }
0x7e: {  	_ =	shalt  }
0x7f: {  	_ =	shalt  }
0x80: {  	_ =	shalt  }
0x81: {  	_ =	shalt  }
0x82: {  	_ =	shalt  }
0x83: {  	_ =	shalt  }
0x84: {  	_ =	shalt  }
0x85: {  	_ =	shalt  }
0x86: {  	_ =	shalt  }
0x87: {  	_ =	shalt  }
.Lfunc_end0:
.L_simem_size_0:
called_computation.1_lowered:
.L_overlay_start_0:
0x88: {  	s2 =	sld [smem:$0x3FD9]  }
0x89: {  	s3 =	sld [smem:$0x3FFE];
	_ =	sdelay $0x1  }
0x8a: {  	s1 =	srdreg.scid  }
0x8b: {  	s0 =	sand.u32 $0x1, s1  }
0x8c: {  	s17 =	sshll.u32 s0, $0xA;
	s2 =	sadd.s32 s3, s2  }
0x8d: {  	s2 =	sadd.s32 s2, s17  }
0x8e: {  	[smem:$0x3FBB] =	sst s2  }
0x8f: {  	_ = 	snop  }
0x90: {  	(tm) =	ssettm $0x1  }
0x91: {  	s18 =	sld [smem:$0x3FFB];
	_ =	sdelay $0x3  }
0x92: {  	_ =	strace s18  }
0x93: {  	s2 =	sld [smem:$0x3FFC];
	_ =	sdelay $0x3  }
0x94: {  	_ =	strace s2  }
0x95: {  	s2 =	sld [smem:$0x3FFD];
	_ =	sdelay $0x3  }
0x96: {  	_ =	strace s2  }
0x97: {  	_ =	strace $0x8FFFFFFF  }
0x98: {  	s19 =	sld [smem:$0x3FDB];
	_ =	sdelay $0x1  }
0x99: {  	s20 =	simm.s32 $_scs_section_size  }
0x9a: {  	s4 =	simm.s32 $_size__tile_overlayer_lowered;
	s5 =	simm.s32 $_tile_overlayer_lowered  }
0x9b: {  	s6 =	simm.s32 $0x1BFF;
	s21 =	sshll.u32 s5, $0x1;
	s3 =	sadd.s32 s20, s19  }
0x9c: {  	s22 =	simm.s32 $0x0;
	s4 =	sshll.u32 s4, $0x1;
	s5 =	sadd.s32 s21, s3  }
0x9d: {  	[timem:s22], [sflag:s6] =	dma.local [hbm:s5], s4  }
0x9e: {  	_ =	swait.ge [sflag:s6], s4  }
0x9f: {  	s4 =	ssub.s32 $0x0, s4;
	[sflag:s6] =	ssyncset.done $0x0  }
0xa0: {  	[sflag:s6] =	ssyncadd.s32 s4;
	_ =	sdelay $0x1  }
0xa1: {  	s23 =	simm.s32 $0x1B8B  }
0xa2: {  	_ =	swait.ge [sflag:s23], $0x1  }
0xa3: {  	[sflag:s23] =	ssyncset.done $0x0  }
0xa4: {  	[sflag:s23] =	ssyncadd.s32 $0xFFFFFFFF  }
0xa5: {  	s4 =	sld [smem:$0x0]  }
0xa6: {  	s5 =	sand.u32 $0xFFFFFFFE, s1  }
0xa7: {  	p0 =	sne.s32 s1, s5  }
0xa8: {  	s5 =	sshll.u32 @p0 s5, $0xE  }
0xa9: {  	s5 =	sadd.s32 @p0 $0x11B8D, s5;
	s6 =	sshll.u32 @p0 s4, $0x11  }
0xaa: {  	s5 =	sor.u32 @p0 s6, s5  }
0xab: {  	[sflag:s5] =	ssyncadd.remote.s32 @p0 $0x1;
	_ =	sdelay $0x1  }
0xac: {  	s5 =	simm.s32 @p0 $0x1B8D  }
0xad: {  	_ =	swait.eq @p0 [sflag:s5], $0x1  }
0xae: {  	[sflag:s5] =	ssyncadd.s32 @p0 $0xFFFFFFFF  }
0xaf: {  	s6 =	sshll.u32 @!p0 s1, $0xE  }
0xb0: {  	s6 =	sor.u32 @!p0 $0x4000, s6;
	s5 =	simm.s32 @!p0 $0x1B8D  }
0xb1: {  	s4 =	sshll.u32 @!p0 s4, $0x11;
	s6 =	sadd.s32 @!p0 $0x11B8D, s6;
	_ =	swait.eq @!p0 [sflag:s5], $0x1  }
0xb2: {  	s4 =	sor.u32 @!p0 s4, s6;
	[sflag:s5] =	ssyncadd.s32 @!p0 $0xFFFFFFFF  }
0xb3: {  	s25 =	simm.s32 $0x1B8E;
	s24 =	sld [smem:$0x3FFE];
	[sflag:s4] =	ssyncadd.remote.s32 @!p0 $0x1  }
0xb4: {  	s26 =	simm.s32 $execute0_lowered;
	[smem:$0x3FD2] =	sst s25  }
0xb5: {  	s5 =	sshll.u32 s26, $0x1;
	_ =	strace $0x8000004C;
	[dreg:$0x1] =	wrdreg $0xFFFFFFFF  }
0xb6: {  	s28 =	simm.s32 $_size_execute0_lowered;
	s3 =	sadd.s32 s3, s5;
	[dreg:$0x0] =	wrdreg $0x0  }
0xb7: {  	s5 =	sshll.u32 s28, $0x1;
	[dreg:$0x2] =	wrdreg s3  }
0xb8: {  	[dreg:$0x3] =	wrdreg s5  }
0xb9: {  	[dreg:$0x4] =	wrdreg $0xC0  }
0xba: {  	_ =	task [dreg:s22], $0x5FFFF  }
0xbb: {  	[dreg:$0x1] =	wrdreg $0xFFFFFFFF  }
0xbc: {  	[dreg:$0x0] =	wrdreg $0x60  }
0xbd: {  	[dreg:$0x2] =	wrdreg s24  }
0xbe: {  	[dreg:$0x3] =	wrdreg $0x0  }
0xbf: {  	[dreg:$0x4] =	wrdreg $0xA0000  }
0xc0: {  	[dreg:$0x5] =	wrdreg $0xA  }
0xc1: {  	_ =	task.clear_ibuf [dreg:s22], $0x6FFFF;
	_ =	strace $0x9000004C  }
0xc2: {  	s29 =	simm.s32 $0xA;
	_ =	strace $0x8000004E  }
0xc3: {  	_ =	swait.ge [sflag:s29], $0x1  }
0xc4: {  	[sflag:s29] =	ssyncadd.s32 $0xFFFFFFFF  }
0xc5: {  	_ =	strace $0x9000004E  }
0xc6: {  	_ =	sfence  }
0xc7: {  	s30 =	sld [smem:$0x0];
	_ =	sdelay $0x2  }
0xc8: {  	s31 =	sshll.u32 s1, $0xD;
	s1 =	sshrl.u32 s1, $0x2  }
0xc9: {  	s4 =	sand.u32 $0x4000, s31;
	s1 =	sadd.s32 s1, s30  }
0xca: {  	s0 =	sor.u32 s4, s0;
	s1 =	sshll.u32 s1, $0x11  }
0xcb: {  	s0 =	sor.u32 s1, s0  }
0xcc: {  	s0 =	sadd.s32 $0x8F2B, s0  }
0xcd: {  	[sflag:s0] =	ssyncadd.remote.s32 $0x1  }
0xce: {  	_ =	sfence.sel $0xFFFF  }
0xcf: {  	[dreg:$0x0] =	wrdreg $0xFFFFFFFF;
	(pc) =	sbr.abs _section_cstart, $3  }
0xd0: {  	[dreg:$0x1] =	wrdreg $0xFFFFFFFF  }
0xd1: {  	_ =	task.clear_ibuf [dreg:s22], $0x2FFFF;
	_ =	strace $0x9FFFFFFF  }
0xd2: {  	(tm) =	ssettm $0x7FFFFFFF  }
0xd3: {  	_ =	shalt  }
tec
execute0_lowered:
.L_overlay_start_1:
0x0: {  	(tag) =	ssettag $0x1  }
0x1: {  	s0 =	rddreg [dreg:$0x0]  }
0x2: {  	s2 =	rddreg [dreg:$0x1];
	s1 =	srdreg.scid  }
0x3: {  	s3 =	rddreg [dreg:$0x2];
	s9 =	stileid.u32;
	s4 =	simm.s32 $0x0  }
0x4: {  	s13 =	simm.s32 $0x9;
	s15 =	simm.s32 $0x14000;
	s16 =	simm.s32 $0x80  }
0x5: {  	s17 =	simm.s32 $0x16800;
	s18 =	simm.s32 $0x18800;
	s19 =	simm.s32 $0x1A800  }
0x6: {  	s20 =	simm.s32 $0x1C800;
	s21 =	simm.s32 $0x1;
	s22 =	simm.s32 $0x2  }
0x7: {  	s23 =	simm.s32 $0x3;
	s24 =	simm.s32 $0x4;
	s25 =	simm.s32 $0x5  }
0x8: {  	s26 =	simm.s32 $0x6;
	s28 =	simm.s32 $0x7;
	s29 =	simm.s32 $0x8  }
0x9: {  	s1 =	sand.u32 $0x1, s1;
	s5 =	smul.u32 $0xA000, s9;
	[smem:$0x7FF] =	sst s4  }
0xa: {  	s10 =	sadd.s32 $0x3CC00, s0;
	s9 =	sshll.u32 s9, $0x6;
	s6 =	smul.u32 $0xA0000, s1  }
0xb: {  	_ =	strace $0x8000004D;
	s1 =	ssub.s32 $0x2, s1;
	[dreg:$0x4] =	wrdreg s10  }
0xc: {  	s9 =	sor.u32 $0x1C09, s9;
	s8 =	sshrl.u32 s1, $0x1;
	s7 =	sadd.s32 s5, s6  }
0xd: {  	s30 =	sadd.s32 s5, s2;
	s14 =	sadd.s32 s5, s3;
	s7 =	sshrl.u32 s7, $0x3  }
0xe: {  	s6 =	sadd.s32 $0x28C00, s0;
	s1 =	ssub.s32 s1, s8;
	s0 =	sadd.s32 s7, s0  }
0xf: {  	s12 =	sshrl.u32 s30, $0x3;
	s14 =	sshrl.u32 s14, $0x3;
	s31 =	sadd.s32 $0xC00, s0  }
0x10: {  	s11 =	smax.u32 s1, $0x1;
	s10 =	sadd.s32 $0x3E000, s0;
	[dreg:$0x5] =	wrdreg s31  }
.LBB2_1:
0x11: {  	s0 =	rddreg [dreg:$0x5]  }
0x12: {  	[spmem:s12], [sflag:s9] =	dma.local [hbm:s0], $0x1400  }
0x13: {  	_ =	swait.ge [sflag:s13], $0x1400  }
0x14: {  	[sflag:s13] =	ssyncset.done $0x0  }
0x15: {  	s31 =	rddreg [dreg:$0x4];
	[sflag:s13] =	ssyncadd.s32 $0xFFFFEC00  }
0x16: {  	[spmem:s14], [sflag:s9] =	dma.local [hbm:s31], $0x1400  }
0x17: {  	_ =	swait.ge [sflag:s13], $0x1400  }
0x18: {  	[sflag:s13] =	ssyncset.done $0x0  }
0x19: {  	[sflag:s13] =	ssyncadd.s32 $0xFFFFEC00  }
0x1a: {  	s30 =	simm.s32 $0x0;
	[bflag:$0x0] =	sbarrier.arrive $0xFFFF  }
.LBB2_2:
0x1b: {  	s0 =	smul.u32 $0x2800, s30;
	_ =	sdelay $0x1  }
0x1c: {  	s0 =	sadd.s32 s5, s0  }
0x1d: {  	s0 =	sshrl.u32 s0, $0x3  }
0x1e: {  	s1 =	simm.s32 $0x0;
	s0 =	sadd.s32 s6, s0  }
0x1f: {  	[tilespmem:s15], [sflag:$0x9] =	stream.linear.gather [hbm4b:s0+s1], $0x2800, $0x38;
	[tilespmem:$0x1E800] =	vst v63  }
0x20: {  	_ =	swait.ge [sflag:s13], $0x2800  }
0x21: {  	[sflag:s13] =	ssyncset.done $0x0  }
0x22: {  	s7 =	simm.s32 $0x14000;
	[sflag:s13] =	ssyncadd.s32 $0xFFFFD800  }
0x23: {  	[tilespmem:s17], [sflag:$0x1] =	stream.indirect.gather [spmem:s2], $0x40, s7, s16, $0xb8;
	[tilespmem:$0x1E800] =	vst v63  }
0x24: {  	s8 =	simm.s32 $0x14100  }
0x25: {  	[tilespmem:s18], [sflag:$0x2] =	stream.indirect.gather [spmem:s2], $0x40, s8, s16, $0xb8;
	[tilespmem:$0x1E800] =	vst v63  }
0x26: {  	s1 =	simm.s32 $0x14200  }
0x27: {  	[tilespmem:s19], [sflag:$0x3] =	stream.indirect.gather [spmem:s2], $0x40, s1, s16, $0xb8;
	[tilespmem:$0x1E800] =	vst v63  }
0x28: {  	s7 =	simm.s32 $0x14300  }
0x29: {  	[tilespmem:s20], [sflag:$0x4] =	stream.indirect.gather [spmem:s2], $0x40, s7, s16, $0xb8;
	[tilespmem:$0x1E800] =	vst v63  }
0x2a: {  	_ =	swait.ge [sflag:s21], $0x2000  }
0x2b: {  	[sflag:s21] =	ssyncset.done $0x0  }
0x2c: {  	s8 =	simm.s32 $0x14080;
	[sflag:s21] =	ssyncadd.s32 $0xFFFFE000  }
0x2d: {  	[spmem:s3] =	stream.indirect.scatter.add.f32 [tilespmem:s17], [sflag:$0x5], $0x40, s8, s16, $0xb8;
	[tilespmem:$0x1E800] =	vst v63  }
0x2e: {  	_ =	swait.ge [sflag:s22], $0x2000  }
0x2f: {  	[sflag:s22] =	ssyncset.done $0x0  }
0x30: {  	s1 =	simm.s32 $0x14180;
	[sflag:s22] =	ssyncadd.s32 $0xFFFFE000  }
0x31: {  	[spmem:s3] =	stream.indirect.scatter.add.f32 [tilespmem:s18], [sflag:$0x6], $0x40, s1, s16, $0xb8;
	[tilespmem:$0x1E800] =	vst v63  }
0x32: {  	_ =	swait.ge [sflag:s23], $0x2000  }
0x33: {  	[sflag:s23] =	ssyncset.done $0x0  }
0x34: {  	s7 =	simm.s32 $0x14280;
	[sflag:s23] =	ssyncadd.s32 $0xFFFFE000  }
0x35: {  	[spmem:s3] =	stream.indirect.scatter.add.f32 [tilespmem:s19], [sflag:$0x7], $0x40, s7, s16, $0xb8;
	[tilespmem:$0x1E800] =	vst v63  }
0x36: {  	_ =	swait.ge [sflag:s24], $0x2000  }
0x37: {  	[sflag:s24] =	ssyncset.done $0x0  }
0x38: {  	s8 =	simm.s32 $0x14380;
	[sflag:s24] =	ssyncadd.s32 $0xFFFFE000  }
0x39: {  	[spmem:s3] =	stream.indirect.scatter.add.f32 [tilespmem:s20], [sflag:$0x8], $0x40, s8, s16, $0xb8;
	[tilespmem:$0x1E800] =	vst v63  }
0x3a: {  	_ =	swait.ge [sflag:s25], $0x2000  }
0x3b: {  	[sflag:s25] =	ssyncset.done $0x0  }
0x3c: {  	[sflag:s25] =	ssyncadd.s32 $0xFFFFE000  }
0x3d: {  	_ =	swait.ge [sflag:s26], $0x2000  }
0x3e: {  	[sflag:s26] =	ssyncset.done $0x0  }
0x3f: {  	[sflag:s26] =	ssyncadd.s32 $0xFFFFE000  }
0x40: {  	_ =	swait.ge [sflag:s28], $0x2000  }
0x41: {  	[sflag:s28] =	ssyncset.done $0x0  }
0x42: {  	[sflag:s28] =	ssyncadd.s32 $0xFFFFE000  }
0x43: {  	_ =	swait.ge [sflag:s29], $0x2000  }
0x44: {  	s31 =	simm.s32 $0x400;
	s0 =	simm.s32 $0x2000;
	[sflag:s29] =	ssyncset.done $0x0  }
.LBB2_3:
0x45: {  	s8 =	sadd.s32 $0x14000, s31  }
0x46: {  	[sflag:s29] =	ssyncadd.s32 $0xFFFFE000;
	s1 =	smov.u32 s0;
	s7 =	sadd.s32 $0x1000, s0  }
0x47: {  	[tilespmem:s17], [sflag:$0x1] =	stream.indirect.gather [spmem:s2], $0x40, s8, s16, $0xb8;
	[tilespmem:$0x1E800] =	vst v63  }
0x48: {  	p0 =	sne.s32 s0, $0x9000;
	s0 =	sadd.s32 $0x14100, s31  }
0x49: {  	[tilespmem:s18], [sflag:$0x2] =	stream.indirect.gather [spmem:s2], $0x40, s0, s16, $0xb8;
	[tilespmem:$0x1E800] =	vst v63  }
0x4a: {  	s0 =	sadd.s32 $0x14200, s31  }
0x4b: {  	[tilespmem:s19], [sflag:$0x3] =	stream.indirect.gather [spmem:s2], $0x40, s0, s16, $0xb8;
	[tilespmem:$0x1E800] =	vst v63  }
0x4c: {  	s0 =	sadd.s32 $0x14300, s31  }
0x4d: {  	[tilespmem:s20], [sflag:$0x4] =	stream.indirect.gather [spmem:s2], $0x40, s0, s16, $0xb8;
	[tilespmem:$0x1E800] =	vst v63  }
0x4e: {  	_ =	swait.ge [sflag:s21], $0x2000  }
0x4f: {  	[sflag:s21] =	ssyncset.done $0x0  }
0x50: {  	s0 =	sadd.s32 $0x14080, s31;
	[sflag:s21] =	ssyncadd.s32 $0xFFFFE000  }
0x51: {  	[spmem:s3] =	stream.indirect.scatter.add.f32 [tilespmem:s17], [sflag:$0x5], $0x40, s0, s16, $0xb8;
	[tilespmem:$0x1E800] =	vst v63  }
0x52: {  	_ =	swait.ge [sflag:s22], $0x2000  }
0x53: {  	[sflag:s22] =	ssyncset.done $0x0  }
0x54: {  	s0 =	sadd.s32 $0x14180, s31;
	[sflag:s22] =	ssyncadd.s32 $0xFFFFE000  }
0x55: {  	[spmem:s3] =	stream.indirect.scatter.add.f32 [tilespmem:s18], [sflag:$0x6], $0x40, s0, s16, $0xb8;
	[tilespmem:$0x1E800] =	vst v63  }
0x56: {  	_ =	swait.ge [sflag:s23], $0x2000  }
0x57: {  	[sflag:s23] =	ssyncset.done $0x0  }
0x58: {  	s0 =	sadd.s32 $0x14280, s31;
	[sflag:s23] =	ssyncadd.s32 $0xFFFFE000  }
0x59: {  	[spmem:s3] =	stream.indirect.scatter.add.f32 [tilespmem:s19], [sflag:$0x7], $0x40, s0, s16, $0xb8;
	[tilespmem:$0x1E800] =	vst v63  }
0x5a: {  	_ =	swait.ge [sflag:s24], $0x2000  }
0x5b: {  	[sflag:s24] =	ssyncset.done $0x0  }
0x5c: {  	s0 =	sadd.s32 $0x14380, s31;
	[sflag:s24] =	ssyncadd.s32 $0xFFFFE000  }
0x5d: {  	[spmem:s3] =	stream.indirect.scatter.add.f32 [tilespmem:s20], [sflag:$0x8], $0x40, s0, s16, $0xb8;
	[tilespmem:$0x1E800] =	vst v63  }
0x5e: {  	_ =	swait.ge [sflag:s25], $0x2000  }
0x5f: {  	[sflag:s25] =	ssyncset.done $0x0  }
0x60: {  	[sflag:s25] =	ssyncadd.s32 $0xFFFFE000  }
0x61: {  	_ =	swait.ge [sflag:s26], $0x2000  }
0x62: {  	[sflag:s26] =	ssyncset.done $0x0  }
0x63: {  	[sflag:s26] =	ssyncadd.s32 $0xFFFFE000  }
.Ltmp0:
0x64: {  	_ =	swait.ge [sflag:s28], $0x2000;
	(pc) =	sbr.rel @p0 .LBB2_3-.Ltmp0, $4  }
0x65: {  	[sflag:s28] =	ssyncset.done $0x0  }
0x66: {  	[sflag:s28] =	ssyncadd.s32 $0xFFFFE000  }
0x67: {  	_ =	swait.ge [sflag:s29], $0x2000  }
0x68: {  	s31 =	sshra.s32 s1, $0x2;
	s0 =	smov.u32 s7;
	[sflag:s29] =	ssyncset.done $0x0  }
0x69: {  	s0 =	sadd.s32 $0x14000, s31;
	[sflag:s29] =	ssyncadd.s32 $0xFFFFE000  }
0x6a: {  	[tilespmem:s17], [sflag:$0x1] =	stream.indirect.gather [spmem:s2], $0x40, s0, s16, $0xb8;
	[tilespmem:$0x1E800] =	vst v63  }
0x6b: {  	s1 =	sadd.s32 $0x14100, s31  }
0x6c: {  	[tilespmem:s18], [sflag:$0x2] =	stream.indirect.gather [spmem:s2], $0x40, s1, s16, $0xb8;
	[tilespmem:$0x1E800] =	vst v63  }
0x6d: {  	s7 =	sadd.s32 $0x14200, s31  }
0x6e: {  	[tilespmem:s19], [sflag:$0x3] =	stream.indirect.gather [spmem:s2], $0x40, s7, s16, $0xb8;
	[tilespmem:$0x1E800] =	vst v63  }
0x6f: {  	s8 =	sadd.s32 $0x14300, s31  }
0x70: {  	[tilespmem:s20], [sflag:$0x4] =	stream.indirect.gather [spmem:s2], $0x40, s8, s16, $0xb8;
	[tilespmem:$0x1E800] =	vst v63  }
0x71: {  	_ =	swait.ge [sflag:s21], $0x2000  }
0x72: {  	[sflag:s21] =	ssyncset.done $0x0  }
0x73: {  	s1 =	sadd.s32 $0x14080, s31;
	[sflag:s21] =	ssyncadd.s32 $0xFFFFE000  }
0x74: {  	[spmem:s3] =	stream.indirect.scatter.add.f32 [tilespmem:s17], [sflag:$0x5], $0x40, s1, s16, $0xb8;
	[tilespmem:$0x1E800] =	vst v63  }
0x75: {  	_ =	swait.ge [sflag:s22], $0x2000  }
0x76: {  	[sflag:s22] =	ssyncset.done $0x0  }
0x77: {  	s7 =	sadd.s32 $0x14180, s31;
	[sflag:s22] =	ssyncadd.s32 $0xFFFFE000  }
0x78: {  	[spmem:s3] =	stream.indirect.scatter.add.f32 [tilespmem:s18], [sflag:$0x6], $0x40, s7, s16, $0xb8;
	[tilespmem:$0x1E800] =	vst v63  }
0x79: {  	_ =	swait.ge [sflag:s23], $0x2000  }
0x7a: {  	[sflag:s23] =	ssyncset.done $0x0  }
0x7b: {  	s8 =	sadd.s32 $0x14280, s31;
	[sflag:s23] =	ssyncadd.s32 $0xFFFFE000  }
0x7c: {  	[spmem:s3] =	stream.indirect.scatter.add.f32 [tilespmem:s19], [sflag:$0x7], $0x40, s8, s16, $0xb8;
	[tilespmem:$0x1E800] =	vst v63  }
0x7d: {  	_ =	swait.ge [sflag:s24], $0x2000  }
0x7e: {  	[sflag:s24] =	ssyncset.done $0x0  }
0x7f: {  	s31 =	sadd.s32 $0x14380, s31;
	[sflag:s24] =	ssyncadd.s32 $0xFFFFE000  }
0x80: {  	[spmem:s3] =	stream.indirect.scatter.add.f32 [tilespmem:s20], [sflag:$0x8], $0x40, s31, s16, $0xb8;
	[tilespmem:$0x1E800] =	vst v63  }
0x81: {  	_ =	swait.ge [sflag:s25], $0x2000  }
0x82: {  	[sflag:s25] =	ssyncset.done $0x0  }
0x83: {  	[sflag:s25] =	ssyncadd.s32 $0xFFFFE000  }
0x84: {  	_ =	swait.ge [sflag:s26], $0x2000  }
0x85: {  	[sflag:s26] =	ssyncset.done $0x0  }
0x86: {  	s30 =	sadd.s32 $0x1, s30;
	[sflag:s26] =	ssyncadd.s32 $0xFFFFE000  }
0x87: {  	p0 =	sne.s32 s30, $0x4;
	_ =	swait.ge [sflag:s28], $0x2000  }
.Ltmp1:
0x88: {  	[sflag:s28] =	ssyncset.done $0x0;
	(pc) =	sbr.rel @p0 .LBB2_2-.Ltmp1, $4  }
0x89: {  	[sflag:s28] =	ssyncadd.s32 $0xFFFFE000  }
0x8a: {  	_ =	swait.ge [sflag:s29], $0x2000  }
0x8b: {  	[sflag:s29] =	ssyncset.done $0x0  }
0x8c: {  	[sflag:s29] =	ssyncadd.s32 $0xFFFFE000  }
0x8d: {  	s4 =	sadd.s32 $0x1, s4  }
0x8e: {  	p0 =	sne.s32 s4, s11  }
.Ltmp2:
0x8f: {  	[bflag:$0x0] =	sbarrier.arrive $0xFFFF;
	(pc) =	sbr.rel @p0 .LBB2_1-.Ltmp2, $4  }
0x90: {  	[hbm:s10], [sflag:s9] =	dma.local [spmem:s14], $0x1400  }
0x91: {  	_ =	swait.ge [sflag:s13], $0x1400  }
0x92: {  	[sflag:s13] =	ssyncset.done $0x0  }
0x93: {  	[sflag:s13] =	ssyncadd.s32 $0xFFFFEC00  }
0x94: {  	_ =	sfence.sel $0x180000  }
0x95: {  	[bflag:$0x0] =	sbarrier.arrive $0xFFFF  }
0x96: {  	_ =	strace $0x9000004D  }
0x97: {  	s0 =	stileid.u32;
	[bflag:$0x2] =	sbarrier.arrive $0xFFFF  }
0x98: {  	p0 =	sne.s32 s0, $0x0;
	s0 =	rddreg [dreg:$0x3]  }
0x99: {  	s0 =	sadd.s32 @!p0 $0x100000, s0  }
0x9a: {  	[sflag:s0] =	ssyncadd.tile.s32 @!p0 $0x1;
	_ =	shalt  }
.Lfunc_end2:
_tile_overlayer_lowered:
.L_overlay_start_2:
0x9b: {  	(tag) =	ssettag $0x2  }
0x9c: {  	s0 =	rddreg [dreg:$0x0];
	s2 =	stileid.u32  }
0x9d: {  	s1 =	rddreg [dreg:$0x1];
	p0 =	sne.s32 s2, $0x0  }
0x9e: {  	s3 =	rddreg [dreg:$0x2];
	[bflag:$0x3] =	sbarrier.arrive $0xFFFF;
	s2 =	simm.s32 @!p0 $0x1C09  }
0x9f: {  	[timem:s3], [sflag:s2] =	dma.local @!p0 [hbm:s0], s1  }
0xa0: {  	s0 =	simm.s32 @!p0 $0x9  }
0xa1: {  	_ =	swait.ge @!p0 [sflag:s0], s1  }
0xa2: {  	s1 =	ssub.s32 @!p0 $0x0, s1;
	[sflag:s0] =	ssyncset.done @!p0 $0x0  }
0xa3: {  	[sflag:s0] =	ssyncadd.s32 @!p0 s1  }
0xa4: {  	[bflag:$0x3] =	sbarrier.arrive $0xFFFF  }
0xa5: {  	_ =	shalt  }

// kernel: kernel.15.cloned.1.call-start
scs
__scs_entry_jumppad:
0x0: {  	(pc) =	sbr.rel $0x88, $3  }
0x1: {  	(tag) =	ssettag $0x0;
	lr =	simm.s32 $0x1  }
0x2: {  	[smem:$0x3F94] =	sst lr;
	_ =	strace $0xD0000000  }
0x3: {  	_ = 	snop  }
0x4: {  	_ = 	snop  }
0x5: {  	_ = 	snop  }
0x6: {  	_ = 	snop  }
0x7: {  	_ = 	snop  }
__scs_overlays_trampoline_lowered:
0x8: {  	[smem:$0x3FA3] =	sst s0  }
0x9: {  	[smem:$0x3FA4] =	sst s1  }
0xa: {  	[smem:$0x3FA5] =	sst s2  }
0xb: {  	[smem:$0x3FA6] =	sst s3  }
0xc: {  	[smem:$0x3FA7] =	sst s4  }
0xd: {  	[smem:$0x3FA8] =	sst s5  }
0xe: {  	[smem:$0x3FA9] =	sst s6  }
0xf: {  	[smem:$0x3FAA] =	sst s7  }
0x10: {  	[smem:$0x3FAB] =	sst s8  }
0x11: {  	[smem:$0x3FAC] =	sst s9;
	s0 =	simm.s32 @!p0 $0x0  }
0x12: {  	s1 =	sld [smem:$0x3F92];
	s0 =	simm.s32 @p0 $0x1  }
0x13: {  	[smem:$0x3FAD] =	sst s0;
	s0 =	simm.s32 @!p1 $0x0  }
0x14: {  	s2 =	sld [smem:$0x3F91];
	s0 =	simm.s32 @p1 $0x1  }
0x15: {  	[smem:$0x3FAE] =	sst s0;
	s0 =	simm.s32 @!p2 $0x0  }
0x16: {  	s3 =	sld [smem:$0x3FDB];
	s0 =	simm.s32 @p2 $0x1  }
0x17: {  	s4 =	simm.s32 $0x1BF5;
	[smem:$0x3FB0] =	sst s0  }
0x18: {  	s0 =	sld [smem:$0x3F93];
	_ =	swait.ge [sflag:s4], $0x0  }
0x19: {  	s7 =	sld [smem:$0x3F94]  }
0x1a: {  	s8 =	sadd.s32 $0xFFFFE003, lr  }
0x1b: {  	s9 =	sadd.s32 $0xFFFFFEF7, lr;
	s5 =	simm.s32 $0xFFFFFFFF;
	p2 =	slt.u32 s8, $0xFFFFF086  }
0x1c: {  	p1 =	slt.u32 s9, $0xF7A;
	s5 =	simm.s32 @!p2 $0x0  }
0x1d: {  	s5 =	simm.s32 @p1 $0x1;
	p0 =	seq.s32 s7, s2  }
0x1e: {  	s7 =	smul.u32 @!p0 $0xF7A, s2;
	p2 =	seq.s32 @!p0 s5, $0x0  }
0x1f: {  	s9 =	smul.u32 $0xF7A, s1;
	s8 =	simm.s32 @!p0 $0x1BF5;
	p2 =	por !p2, p0  }
0x20: {  	[sflag:s8] =	ssyncset.s32 @!p0 $0xFFFFF086;
	s6 =	sadd.s32 @!p0 s3, s7;
	s7 =	simm.s32 @!p0 $0x108  }
0x21: {  	s3 =	sadd.s32 s3, s9;
	s6 =	sadd.s32 @!p0 $0x88, s6;
	s7 =	simm.s32 @p2 $0x1082  }
0x22: {  	[simem:s7], [sflag:s8] =	dma.local @!p0 [hbm:s6], $0xF7A  }
0x23: {  	s9 =	sor.u32 $0xD0000000, s2;
	s6 =	simm.s32 $0x108;
	_ =	swait.ge @!p0 [sflag:s8], $0x0  }
0x24: {  	s3 =	sadd.s32 $0x88, s3;
	s6 =	simm.s32 @!p1 $0x1082;
	[sflag:s4] =	ssyncset.s32 $0xFFFFF086  }
0x25: {  	[simem:s6], [sflag:s4] =	dma.local [hbm:s3], $0xF7A  }
0x26: {  	[smem:$0x3F94] =	sst s1;
	(tag) =	ssettag s2;
	_ =	strace s9  }
0x27: {  	s1 =	sld [smem:$0x3FA4]  }
0x28: {  	s2 =	sld [smem:$0x3FA5]  }
0x29: {  	s4 =	sld [smem:$0x3FA7]  }
0x2a: {  	p0 =	seq.s32 s5, $0x0;
	s5 =	sld [smem:$0x3FA8]  }
0x2b: {  	s6 =	sld [smem:$0x3FA9]  }
0x2c: {  	s7 =	sld [smem:$0x3FAA]  }
0x2d: {  	s3 =	simm.s32 $0x108;
	s8 =	sld [smem:$0x3FAB]  }
0x2e: {  	s3 =	simm.s32 @!p0 $0x1082;
	s9 =	sld [smem:$0x3FAC]  }
0x2f: {  	lr =	sadd.s32 s0, s3;
	s0 =	sld [smem:$0x3FA3]  }
0x30: {  	s3 =	sld [smem:$0x3FA6]  }
0x31: {  	[smem:$0x3FAF] =	sst s10  }
0x32: {  	s10 =	sld [smem:$0x3FAD];
	_ =	sdelay $0x3  }
0x33: {  	p0 =	seq.s32 s10, $0x1;
	s10 =	sld [smem:$0x3FAF];
	_ =	sdelay $0x3  }
0x34: {  	[smem:$0x3FAF] =	sst s10  }
0x35: {  	s10 =	sld [smem:$0x3FAE];
	_ =	sdelay $0x3  }
0x36: {  	p1 =	seq.s32 s10, $0x1;
	s10 =	sld [smem:$0x3FAF];
	_ =	sdelay $0x3  }
0x37: {  	[smem:$0x3FAF] =	sst s10  }
0x38: {  	s10 =	sld [smem:$0x3FB0]  }
0x39: {  	_ = 	snop;
	(pc) =	sbr.ind lr, $3  }
0x3a: {  	_ = 	snop  }
0x3b: {  	_ = 	snop  }
0x3c: {  	p2 =	seq.s32 s10, $0x1;
	s10 =	sld [smem:$0x3FAF]  }
0x3d: {  	_ =	shalt  }
0x3e: {  	_ =	shalt  }
0x3f: {  	_ =	shalt  }
0x40: {  	_ =	shalt  }
0x41: {  	_ =	shalt  }
0x42: {  	_ =	shalt  }
0x43: {  	_ =	shalt  }
0x44: {  	_ =	shalt  }
0x45: {  	_ =	shalt  }
0x46: {  	_ =	shalt  }
0x47: {  	_ =	shalt  }
0x48: {  	_ =	shalt  }
0x49: {  	_ =	shalt  }
0x4a: {  	_ =	shalt  }
0x4b: {  	_ =	shalt  }
0x4c: {  	_ =	shalt  }
0x4d: {  	_ =	shalt  }
0x4e: {  	_ =	shalt  }
0x4f: {  	_ =	shalt  }
0x50: {  	_ =	shalt  }
0x51: {  	_ =	shalt  }
0x52: {  	_ =	shalt  }
0x53: {  	_ =	shalt  }
0x54: {  	_ =	shalt  }
0x55: {  	_ =	shalt  }
0x56: {  	_ =	shalt  }
0x57: {  	_ =	shalt  }
0x58: {  	_ =	shalt  }
0x59: {  	_ =	shalt  }
0x5a: {  	_ =	shalt  }
0x5b: {  	_ =	shalt  }
0x5c: {  	_ =	shalt  }
0x5d: {  	_ =	shalt  }
0x5e: {  	_ =	shalt  }
0x5f: {  	_ =	shalt  }
0x60: {  	_ =	shalt  }
0x61: {  	_ =	shalt  }
0x62: {  	_ =	shalt  }
0x63: {  	_ =	shalt  }
0x64: {  	_ =	shalt  }
0x65: {  	_ =	shalt  }
0x66: {  	_ =	shalt  }
0x67: {  	_ =	shalt  }
0x68: {  	_ =	shalt  }
0x69: {  	_ =	shalt  }
0x6a: {  	_ =	shalt  }
0x6b: {  	_ =	shalt  }
0x6c: {  	_ =	shalt  }
0x6d: {  	_ =	shalt  }
0x6e: {  	_ =	shalt  }
0x6f: {  	_ =	shalt  }
0x70: {  	_ =	shalt  }
0x71: {  	_ =	shalt  }
0x72: {  	_ =	shalt  }
0x73: {  	_ =	shalt  }
0x74: {  	_ =	shalt  }
0x75: {  	_ =	shalt  }
0x76: {  	_ =	shalt  }
0x77: {  	_ =	shalt  }
0x78: {  	_ =	shalt  }
0x79: {  	_ =	shalt  }
0x7a: {  	_ =	shalt  }
0x7b: {  	_ =	shalt  }
0x7c: {  	_ =	shalt  }
0x7d: {  	_ =	shalt  }
0x7e: {  	_ =	shalt  }
0x7f: {  	_ =	shalt  }
0x80: {  	_ =	shalt  }
0x81: {  	_ =	shalt  }
0x82: {  	_ =	shalt  }
0x83: {  	_ =	shalt  }
0x84: {  	_ =	shalt  }
0x85: {  	_ =	shalt  }
0x86: {  	_ =	shalt  }
0x87: {  	_ =	shalt  }
.Lfunc_end0:
.L_simem_size_0:
called_computation.2_lowered:
.L_overlay_start_0:
0x88: {  	s2 =	sld [smem:$0x3FD9]  }
0x89: {  	s3 =	sld [smem:$0x3FFE];
	_ =	sdelay $0x1  }
0x8a: {  	s1 =	srdreg.scid  }
0x8b: {  	s0 =	sand.u32 $0x1, s1  }
0x8c: {  	s17 =	sshll.u32 s0, $0xA;
	s2 =	sadd.s32 s3, s2  }
0x8d: {  	s2 =	sadd.s32 s2, s17  }
0x8e: {  	[smem:$0x3FBB] =	sst s2  }
0x8f: {  	_ = 	snop  }
0x90: {  	(tm) =	ssettm $0x1  }
0x91: {  	s18 =	sld [smem:$0x3FFB];
	_ =	sdelay $0x3  }
0x92: {  	_ =	strace s18  }
0x93: {  	s2 =	sld [smem:$0x3FFC];
	_ =	sdelay $0x3  }
0x94: {  	_ =	strace s2  }
0x95: {  	s2 =	sld [smem:$0x3FFD];
	_ =	sdelay $0x3  }
0x96: {  	_ =	strace s2  }
0x97: {  	_ =	strace $0x8FFFFFFF  }
0x98: {  	s19 =	sld [smem:$0x3FDB];
	_ =	sdelay $0x1  }
0x99: {  	s20 =	simm.s32 $_scs_section_size  }
0x9a: {  	s4 =	simm.s32 $_size__tile_overlayer_lowered;
	s5 =	simm.s32 $_tile_overlayer_lowered  }
0x9b: {  	s6 =	simm.s32 $0x1BFF;
	s21 =	sshll.u32 s5, $0x1;
	s3 =	sadd.s32 s20, s19  }
0x9c: {  	s22 =	simm.s32 $0x0;
	s4 =	sshll.u32 s4, $0x1;
	s5 =	sadd.s32 s21, s3  }
0x9d: {  	[timem:s22], [sflag:s6] =	dma.local [hbm:s5], s4  }
0x9e: {  	_ =	swait.ge [sflag:s6], s4  }
0x9f: {  	s4 =	ssub.s32 $0x0, s4;
	[sflag:s6] =	ssyncset.done $0x0  }
0xa0: {  	[sflag:s6] =	ssyncadd.s32 s4;
	_ =	sdelay $0x1  }
0xa1: {  	s23 =	simm.s32 $0x1B8B  }
0xa2: {  	_ =	swait.ge [sflag:s23], $0x1  }
0xa3: {  	[sflag:s23] =	ssyncset.done $0x0  }
0xa4: {  	[sflag:s23] =	ssyncadd.s32 $0xFFFFFFFF  }
0xa5: {  	s4 =	sld [smem:$0x0]  }
0xa6: {  	s5 =	sand.u32 $0xFFFFFFFE, s1  }
0xa7: {  	p0 =	sne.s32 s1, s5  }
0xa8: {  	s5 =	sshll.u32 @p0 s5, $0xE  }
0xa9: {  	s5 =	sadd.s32 @p0 $0x11B8D, s5;
	s6 =	sshll.u32 @p0 s4, $0x11  }
0xaa: {  	s5 =	sor.u32 @p0 s6, s5  }
0xab: {  	[sflag:s5] =	ssyncadd.remote.s32 @p0 $0x1;
	_ =	sdelay $0x1  }
0xac: {  	s5 =	simm.s32 @p0 $0x1B8D  }
0xad: {  	_ =	swait.eq @p0 [sflag:s5], $0x1  }
0xae: {  	[sflag:s5] =	ssyncadd.s32 @p0 $0xFFFFFFFF  }
0xaf: {  	s6 =	sshll.u32 @!p0 s1, $0xE  }
0xb0: {  	s6 =	sor.u32 @!p0 $0x4000, s6;
	s5 =	simm.s32 @!p0 $0x1B8D  }
0xb1: {  	s4 =	sshll.u32 @!p0 s4, $0x11;
	s6 =	sadd.s32 @!p0 $0x11B8D, s6;
	_ =	swait.eq @!p0 [sflag:s5], $0x1  }
0xb2: {  	s4 =	sor.u32 @!p0 s4, s6;
	[sflag:s5] =	ssyncadd.s32 @!p0 $0xFFFFFFFF  }
0xb3: {  	s25 =	simm.s32 $0x1B8E;
	s24 =	sld [smem:$0x3FFE];
	[sflag:s4] =	ssyncadd.remote.s32 @!p0 $0x1  }
0xb4: {  	s26 =	simm.s32 $execute0_lowered;
	[smem:$0x3FD2] =	sst s25  }
0xb5: {  	s5 =	sshll.u32 s26, $0x1;
	_ =	strace $0x80000049;
	[dreg:$0x1] =	wrdreg $0xFFFFFFFF  }
0xb6: {  	s28 =	simm.s32 $_size_execute0_lowered;
	s3 =	sadd.s32 s3, s5;
	[dreg:$0x0] =	wrdreg $0x0  }
0xb7: {  	s5 =	sshll.u32 s28, $0x1;
	[dreg:$0x2] =	wrdreg s3  }
0xb8: {  	[dreg:$0x3] =	wrdreg s5  }
0xb9: {  	[dreg:$0x4] =	wrdreg $0xC0  }
0xba: {  	_ =	task [dreg:s22], $0x5FFFF  }
0xbb: {  	[dreg:$0x1] =	wrdreg $0xFFFFFFFF  }
0xbc: {  	[dreg:$0x0] =	wrdreg $0x60  }
0xbd: {  	[dreg:$0x2] =	wrdreg s24  }
0xbe: {  	[dreg:$0x3] =	wrdreg $0x0  }
0xbf: {  	[dreg:$0x4] =	wrdreg $0x9  }
0xc0: {  	_ =	task.clear_ibuf [dreg:s22], $0x5FFFF;
	_ =	strace $0x90000049  }
0xc1: {  	s29 =	simm.s32 $0x9;
	_ =	strace $0x8000004B  }
0xc2: {  	_ =	swait.ge [sflag:s29], $0x1  }
0xc3: {  	[sflag:s29] =	ssyncadd.s32 $0xFFFFFFFF  }
0xc4: {  	_ =	strace $0x9000004B  }
0xc5: {  	_ =	sfence  }
0xc6: {  	s30 =	sld [smem:$0x0];
	_ =	sdelay $0x2  }
0xc7: {  	s31 =	sshll.u32 s1, $0xD;
	s1 =	sshrl.u32 s1, $0x2  }
0xc8: {  	s4 =	sand.u32 $0x4000, s31;
	s1 =	sadd.s32 s1, s30  }
0xc9: {  	s0 =	sor.u32 s4, s0;
	s1 =	sshll.u32 s1, $0x11  }
0xca: {  	s0 =	sor.u32 s1, s0  }
0xcb: {  	s0 =	sadd.s32 $0x8F2B, s0  }
0xcc: {  	[sflag:s0] =	ssyncadd.remote.s32 $0x1  }
0xcd: {  	_ =	sfence.sel $0xFFFF  }
0xce: {  	[dreg:$0x0] =	wrdreg $0xFFFFFFFF;
	(pc) =	sbr.abs _section_cstart, $3  }
0xcf: {  	[dreg:$0x1] =	wrdreg $0xFFFFFFFF  }
0xd0: {  	_ =	task.clear_ibuf [dreg:s22], $0x2FFFF;
	_ =	strace $0x9FFFFFFF  }
0xd1: {  	(tm) =	ssettm $0x7FFFFFFF  }
tec
execute0_lowered:
.L_overlay_start_1:
0x0: {  	(tag) =	ssettag $0x1  }
0x1: {  	s0 =	srdreg.scid;
	s1 =	rddreg [dreg:$0x0]  }
0x2: {  	s8 =	stileid.u32;
	s2 =	rddreg [dreg:$0x1];
	s5 =	simm.s32 $0x0  }
0x3: {  	s11 =	simm.s32 $0x9;
	s12 =	simm.s32 $0x14000;
	s13 =	simm.s32 $0x80  }
0x4: {  	s14 =	simm.s32 $0x17400;
	s16 =	simm.s32 $0x17800;
	s18 =	simm.s32 $0x17C00  }
0x5: {  	s20 =	simm.s32 $0x18000;
	s21 =	simm.s32 $0x1;
	s22 =	simm.s32 $0x14080  }
0x6: {  	s23 =	simm.s32 $0x2;
	s24 =	simm.s32 $0x14180;
	s28 =	simm.s32 $0x4  }
0x7: {  	s29 =	simm.s32 $0x14380;
	s30 =	simm.s32 $0x5;
	s4 =	smul.u32 $0x3400, s8  }
0x8: {  	s31 =	simm.s32 $0x6;
	s0 =	sand.u32 $0x1, s0;
	s6 =	smul.u32 $0x14000, s8  }
0x9: {  	[smem:$0x7FF] =	sst s5;
	s5 =	sadd.s32 $0x73000, s1;
	s3 =	smul.u32 $0x34000, s0  }
0xa: {  	s8 =	sshll.u32 s8, $0x6;
	s25 =	smul.u32 $0x140000, s0;
	s0 =	ssub.s32 $0x2, s0  }
0xb: {  	_ =	strace $0x8000004A;
	s26 =	sshrl.u32 s0, $0x1;
	s10 =	sadd.s32 s6, s2  }
0xc: {  	s3 =	sadd.s32 s4, s3;
	s4 =	sadd.s32 $0x2D7000, s1;
	s7 =	sadd.s32 s6, s25  }
0xd: {  	s0 =	ssub.s32 s0, s26;
	s6 =	sor.u32 $0x1C09, s8;
	s10 =	sshrl.u32 s10, $0x3  }
0xe: {  	s25 =	simm.s32 $0x3;
	s26 =	simm.s32 $0x14280;
	s3 =	sshrl.u32 s3, $0x3  }
0xf: {  	s7 =	sshrl.u32 s7, $0x3;
	s9 =	smax.u32 s0, $0x1;
	s3 =	sadd.s32 s3, s1  }
0x10: {  	s0 =	simm.s32 $0x8;
	s1 =	sadd.s32 s7, s1;
	s7 =	sadd.s32 $0x66000, s3  }
0x11: {  	s8 =	sadd.s32 $0x75800, s1;
	s1 =	simm.s32 $0x7;
	s3 =	simm.s32 $0x0  }
.LBB2_1:
0x12: {  	[spmem:s10], [sflag:s6] =	dma.local [hbm:s5], $0x2800  }
0x13: {  	_ =	swait.ge [sflag:s11], $0x2800  }
0x14: {  	[sflag:s11] =	ssyncset.done $0x0  }
0x15: {  	s15 =	simm.s32 $0x0;
	[sflag:s11] =	ssyncadd.s32 $0xFFFFD800  }
0x16: {  	[tilespmem:s12], [sflag:$0x9] =	stream.linear.gather [hbm4b:s7+s15], $0x3400, $0x38;
	[tilespmem:$0x18400] =	vst v63  }
0x17: {  	_ =	swait.ge [sflag:s11], $0x3400  }
0x18: {  	[sflag:s11] =	ssyncset.done $0x0  }
0x19: {  	[sflag:s11] =	ssyncadd.s32 $0xFFFFCC00  }
0x1a: {  	[bflag:$0x0] =	sbarrier.arrive $0xFFFF  }
0x1b: {  	[tilespmem:s14], [sflag:$0x1] =	stream.indirect.gather [hbm4b:s4+s13], $0x8, s12, s13, $0xb8;
	[tilespmem:$0x18400] =	vst v63  }
0x1c: {  	s17 =	simm.s32 $0x14100  }
0x1d: {  	[tilespmem:s16], [sflag:$0x2] =	stream.indirect.gather [hbm4b:s4+s13], $0x8, s17, s13, $0xb8;
	[tilespmem:$0x18400] =	vst v63  }
0x1e: {  	s19 =	simm.s32 $0x14200  }
0x1f: {  	[tilespmem:s18], [sflag:$0x3] =	stream.indirect.gather [hbm4b:s4+s13], $0x8, s19, s13, $0xb8;
	[tilespmem:$0x18400] =	vst v63  }
0x20: {  	s17 =	simm.s32 $0x14300  }
0x21: {  	[tilespmem:s20], [sflag:$0x4] =	stream.indirect.gather [hbm4b:s4+s13], $0x8, s17, s13, $0xb8;
	[tilespmem:$0x18400] =	vst v63  }
0x22: {  	_ =	swait.ge [sflag:s21], $0x400  }
0x23: {  	[sflag:s21] =	ssyncset.done $0x0  }
0x24: {  	[sflag:s21] =	ssyncadd.s32 $0xFFFFFC00  }
0x25: {  	[spmem:s2] =	stream.indirect.scatter.add.f32 [tilespmem:s14], [sflag:$0x5], $0x8, s22, s13, $0xb8;
	[tilespmem:$0x18400] =	vst v63  }
0x26: {  	_ =	swait.ge [sflag:s23], $0x400  }
0x27: {  	[sflag:s23] =	ssyncset.done $0x0  }
0x28: {  	[sflag:s23] =	ssyncadd.s32 $0xFFFFFC00  }
0x29: {  	[spmem:s2] =	stream.indirect.scatter.add.f32 [tilespmem:s16], [sflag:$0x6], $0x8, s24, s13, $0xb8;
	[tilespmem:$0x18400] =	vst v63  }
0x2a: {  	_ =	swait.ge [sflag:s25], $0x400  }
0x2b: {  	[sflag:s25] =	ssyncset.done $0x0  }
0x2c: {  	[sflag:s25] =	ssyncadd.s32 $0xFFFFFC00  }
0x2d: {  	[spmem:s2] =	stream.indirect.scatter.add.f32 [tilespmem:s18], [sflag:$0x7], $0x8, s26, s13, $0xb8;
	[tilespmem:$0x18400] =	vst v63  }
0x2e: {  	_ =	swait.ge [sflag:s28], $0x400  }
0x2f: {  	[sflag:s28] =	ssyncset.done $0x0  }
0x30: {  	[sflag:s28] =	ssyncadd.s32 $0xFFFFFC00  }
0x31: {  	[spmem:s2] =	stream.indirect.scatter.add.f32 [tilespmem:s20], [sflag:$0x8], $0x8, s29, s13, $0xb8;
	[tilespmem:$0x18400] =	vst v63  }
0x32: {  	_ =	swait.ge [sflag:s30], $0x400  }
0x33: {  	[sflag:s30] =	ssyncset.done $0x0  }
0x34: {  	s19 =	simm.s32 $0x14400;
	[sflag:s30] =	ssyncadd.s32 $0xFFFFFC00  }
0x35: {  	[tilespmem:s14], [sflag:$0x1] =	stream.indirect.gather [hbm4b:s4+s13], $0x8, s19, s13, $0xb8;
	[tilespmem:$0x18400] =	vst v63  }
0x36: {  	_ =	swait.ge [sflag:s31], $0x400  }
0x37: {  	[sflag:s31] =	ssyncset.done $0x0  }
0x38: {  	s17 =	simm.s32 $0x14500;
	[sflag:s31] =	ssyncadd.s32 $0xFFFFFC00  }
0x39: {  	[tilespmem:s16], [sflag:$0x2] =	stream.indirect.gather [hbm4b:s4+s13], $0x8, s17, s13, $0xb8;
	[tilespmem:$0x18400] =	vst v63  }
0x3a: {  	_ =	swait.ge [sflag:s1], $0x400  }
0x3b: {  	[sflag:s1] =	ssyncset.done $0x0  }
0x3c: {  	s19 =	simm.s32 $0x14600;
	[sflag:s1] =	ssyncadd.s32 $0xFFFFFC00  }
0x3d: {  	[tilespmem:s18], [sflag:$0x3] =	stream.indirect.gather [hbm4b:s4+s13], $0x8, s19, s13, $0xb8;
	[tilespmem:$0x18400] =	vst v63  }
0x3e: {  	_ =	swait.ge [sflag:s0], $0x400  }
0x3f: {  	[sflag:s0] =	ssyncset.done $0x0  }
0x40: {  	s17 =	simm.s32 $0x14700;
	[sflag:s0] =	ssyncadd.s32 $0xFFFFFC00  }
0x41: {  	[tilespmem:s20], [sflag:$0x4] =	stream.indirect.gather [hbm4b:s4+s13], $0x8, s17, s13, $0xb8;
	[tilespmem:$0x18400] =	vst v63  }
0x42: {  	_ =	swait.ge [sflag:s21], $0x400  }
0x43: {  	[sflag:s21] =	ssyncset.done $0x0  }
0x44: {  	s19 =	simm.s32 $0x14480;
	[sflag:s21] =	ssyncadd.s32 $0xFFFFFC00  }
0x45: {  	[spmem:s2] =	stream.indirect.scatter.add.f32 [tilespmem:s14], [sflag:$0x5], $0x8, s19, s13, $0xb8;
	[tilespmem:$0x18400] =	vst v63  }
0x46: {  	_ =	swait.ge [sflag:s23], $0x400  }
0x47: {  	[sflag:s23] =	ssyncset.done $0x0  }
0x48: {  	s17 =	simm.s32 $0x14580;
	[sflag:s23] =	ssyncadd.s32 $0xFFFFFC00  }
0x49: {  	[spmem:s2] =	stream.indirect.scatter.add.f32 [tilespmem:s16], [sflag:$0x6], $0x8, s17, s13, $0xb8;
	[tilespmem:$0x18400] =	vst v63  }
0x4a: {  	_ =	swait.ge [sflag:s25], $0x400  }
0x4b: {  	[sflag:s25] =	ssyncset.done $0x0  }
0x4c: {  	s19 =	simm.s32 $0x14680;
	[sflag:s25] =	ssyncadd.s32 $0xFFFFFC00  }
0x4d: {  	[spmem:s2] =	stream.indirect.scatter.add.f32 [tilespmem:s18], [sflag:$0x7], $0x8, s19, s13, $0xb8;
	[tilespmem:$0x18400] =	vst v63  }
0x4e: {  	_ =	swait.ge [sflag:s28], $0x400  }
0x4f: {  	[sflag:s28] =	ssyncset.done $0x0  }
0x50: {  	s15 =	simm.s32 $0x1000;
	s17 =	simm.s32 $0x14780;
	[sflag:s28] =	ssyncadd.s32 $0xFFFFFC00  }
.LBB2_2:
0x51: {  	[spmem:s2] =	stream.indirect.scatter.add.f32 [tilespmem:s20], [sflag:$0x8], $0x8, s17, s13, $0xb8;
	[tilespmem:$0x18400] =	vst v63  }
0x52: {  	s17 =	smov.u32 s15  }
0x53: {  	p0 =	sne.s32 s15, $0xB000;
	s15 =	sadd.s32 $0x1000, s15;
	_ =	swait.ge [sflag:s30], $0x400  }
0x54: {  	s17 =	sshra.s32 s17, $0x2;
	[sflag:s30] =	ssyncset.done $0x0  }
0x55: {  	s19 =	sadd.s32 $0x14400, s17;
	[sflag:s30] =	ssyncadd.s32 $0xFFFFFC00  }
0x56: {  	[tilespmem:s14], [sflag:$0x1] =	stream.indirect.gather [hbm4b:s4+s13], $0x8, s19, s13, $0xb8;
	[tilespmem:$0x18400] =	vst v63  }
0x57: {  	_ =	swait.ge [sflag:s31], $0x400  }
0x58: {  	[sflag:s31] =	ssyncset.done $0x0  }
0x59: {  	s19 =	sadd.s32 $0x14500, s17;
	[sflag:s31] =	ssyncadd.s32 $0xFFFFFC00  }
0x5a: {  	[tilespmem:s16], [sflag:$0x2] =	stream.indirect.gather [hbm4b:s4+s13], $0x8, s19, s13, $0xb8;
	[tilespmem:$0x18400] =	vst v63  }
0x5b: {  	_ =	swait.ge [sflag:s1], $0x400  }
0x5c: {  	[sflag:s1] =	ssyncset.done $0x0  }
0x5d: {  	s19 =	sadd.s32 $0x14600, s17;
	[sflag:s1] =	ssyncadd.s32 $0xFFFFFC00  }
0x5e: {  	[tilespmem:s18], [sflag:$0x3] =	stream.indirect.gather [hbm4b:s4+s13], $0x8, s19, s13, $0xb8;
	[tilespmem:$0x18400] =	vst v63  }
0x5f: {  	_ =	swait.ge [sflag:s0], $0x400  }
0x60: {  	[sflag:s0] =	ssyncset.done $0x0  }
0x61: {  	s19 =	sadd.s32 $0x14700, s17;
	[sflag:s0] =	ssyncadd.s32 $0xFFFFFC00  }
0x62: {  	[tilespmem:s20], [sflag:$0x4] =	stream.indirect.gather [hbm4b:s4+s13], $0x8, s19, s13, $0xb8;
	[tilespmem:$0x18400] =	vst v63  }
0x63: {  	_ =	swait.ge [sflag:s21], $0x400  }
0x64: {  	[sflag:s21] =	ssyncset.done $0x0  }
0x65: {  	s19 =	sadd.s32 $0x14480, s17;
	[sflag:s21] =	ssyncadd.s32 $0xFFFFFC00  }
0x66: {  	[spmem:s2] =	stream.indirect.scatter.add.f32 [tilespmem:s14], [sflag:$0x5], $0x8, s19, s13, $0xb8;
	[tilespmem:$0x18400] =	vst v63  }
0x67: {  	_ =	swait.ge [sflag:s23], $0x400  }
0x68: {  	[sflag:s23] =	ssyncset.done $0x0  }
0x69: {  	s19 =	sadd.s32 $0x14580, s17;
	[sflag:s23] =	ssyncadd.s32 $0xFFFFFC00  }
0x6a: {  	[spmem:s2] =	stream.indirect.scatter.add.f32 [tilespmem:s16], [sflag:$0x6], $0x8, s19, s13, $0xb8;
	[tilespmem:$0x18400] =	vst v63  }
0x6b: {  	_ =	swait.ge [sflag:s25], $0x400  }
0x6c: {  	[sflag:s25] =	ssyncset.done $0x0  }
.Ltmp0:
0x6d: {  	s19 =	sadd.s32 $0x14680, s17;
	[sflag:s25] =	ssyncadd.s32 $0xFFFFFC00;
	(pc) =	sbr.rel @p0 .LBB2_2-.Ltmp0, $4  }
0x6e: {  	[spmem:s2] =	stream.indirect.scatter.add.f32 [tilespmem:s18], [sflag:$0x7], $0x8, s19, s13, $0xb8;
	[tilespmem:$0x18400] =	vst v63  }
0x6f: {  	_ =	swait.ge [sflag:s28], $0x400  }
0x70: {  	[sflag:s28] =	ssyncset.done $0x0  }
0x71: {  	s17 =	sadd.s32 $0x14780, s17;
	[sflag:s28] =	ssyncadd.s32 $0xFFFFFC00  }
0x72: {  	[spmem:s2] =	stream.indirect.scatter.add.f32 [tilespmem:s20], [sflag:$0x8], $0x8, s17, s13, $0xb8;
	[tilespmem:$0x18400] =	vst v63  }
0x73: {  	_ =	swait.ge [sflag:s30], $0x400  }
0x74: {  	[sflag:s30] =	ssyncset.done $0x0  }
0x75: {  	[sflag:s30] =	ssyncadd.s32 $0xFFFFFC00  }
0x76: {  	_ =	swait.ge [sflag:s31], $0x400  }
0x77: {  	[sflag:s31] =	ssyncset.done $0x0  }
0x78: {  	[sflag:s31] =	ssyncadd.s32 $0xFFFFFC00  }
0x79: {  	_ =	swait.ge [sflag:s1], $0x400  }
0x7a: {  	[sflag:s1] =	ssyncset.done $0x0  }
0x7b: {  	[sflag:s1] =	ssyncadd.s32 $0xFFFFFC00  }
0x7c: {  	_ =	swait.ge [sflag:s0], $0x400  }
0x7d: {  	s3 =	sadd.s32 $0x1, s3;
	[sflag:s0] =	ssyncset.done $0x0  }
0x7e: {  	p0 =	sne.s32 s3, s9;
	[sflag:s0] =	ssyncadd.s32 $0xFFFFFC00  }
.Ltmp1:
0x7f: {  	[bflag:$0x0] =	sbarrier.arrive $0xFFFF;
	(pc) =	sbr.rel @p0 .LBB2_1-.Ltmp1, $4  }
0x80: {  	[hbm:s8], [sflag:s6] =	dma.local [spmem:s10], $0x2800  }
0x81: {  	_ =	swait.ge [sflag:s11], $0x2800  }
0x82: {  	[sflag:s11] =	ssyncset.done $0x0  }
0x83: {  	[sflag:s11] =	ssyncadd.s32 $0xFFFFD800  }
0x84: {  	_ =	sfence.sel $0x180000  }
0x85: {  	[bflag:$0x0] =	sbarrier.arrive $0xFFFF  }
0x86: {  	_ =	strace $0x9000004A  }
0x87: {  	s0 =	stileid.u32;
	[bflag:$0x2] =	sbarrier.arrive $0xFFFF  }
0x88: {  	p0 =	sne.s32 s0, $0x0;
	s0 =	rddreg [dreg:$0x2]  }
0x89: {  	s0 =	sadd.s32 @!p0 $0x100000, s0  }
0x8a: {  	[sflag:s0] =	ssyncadd.tile.s32 @!p0 $0x1;
	_ =	shalt  }
.Lfunc_end2:
_tile_overlayer_lowered:
.L_overlay_start_2:
0x8b: {  	(tag) =	ssettag $0x2  }
0x8c: {  	s0 =	rddreg [dreg:$0x0];
	s2 =	stileid.u32  }
0x8d: {  	s1 =	rddreg [dreg:$0x1];
	p0 =	sne.s32 s2, $0x0  }
0x8e: {  	s3 =	rddreg [dreg:$0x2];
	[bflag:$0x3] =	sbarrier.arrive $0xFFFF;
	s2 =	simm.s32 @!p0 $0x1C09  }
0x8f: {  	[timem:s3], [sflag:s2] =	dma.local @!p0 [hbm:s0], s1  }
0x90: {  	s0 =	simm.s32 @!p0 $0x9  }
0x91: {  	_ =	swait.ge @!p0 [sflag:s0], s1  }
0x92: {  	s1 =	ssub.s32 @!p0 $0x0, s1;
	[sflag:s0] =	ssyncset.done @!p0 $0x0  }
0x93: {  	[sflag:s0] =	ssyncadd.s32 @!p0 s1  }
0x94: {  	[bflag:$0x3] =	sbarrier.arrive $0xFFFF  }
0x95: {  	_ =	shalt  }

// kernel: kernel.9.cloned.1.call-start
scs
__scs_entry_jumppad:
0x0: {  	(pc) =	sbr.rel $0x88, $3  }
0x1: {  	(tag) =	ssettag $0x0;
	lr =	simm.s32 $0x1  }
0x2: {  	[smem:$0x3F94] =	sst lr;
	_ =	strace $0xD0000000  }
0x3: {  	_ = 	snop  }
0x4: {  	_ = 	snop  }
0x5: {  	_ = 	snop  }
0x6: {  	_ = 	snop  }
0x7: {  	_ = 	snop  }
__scs_overlays_trampoline_lowered:
0x8: {  	[smem:$0x3FA3] =	sst s0  }
0x9: {  	[smem:$0x3FA4] =	sst s1  }
0xa: {  	[smem:$0x3FA5] =	sst s2  }
0xb: {  	[smem:$0x3FA6] =	sst s3  }
0xc: {  	[smem:$0x3FA7] =	sst s4  }
0xd: {  	[smem:$0x3FA8] =	sst s5  }
0xe: {  	[smem:$0x3FA9] =	sst s6  }
0xf: {  	[smem:$0x3FAA] =	sst s7  }
0x10: {  	[smem:$0x3FAB] =	sst s8  }
0x11: {  	[smem:$0x3FAC] =	sst s9;
	s0 =	simm.s32 @!p0 $0x0  }
0x12: {  	s1 =	sld [smem:$0x3F92];
	s0 =	simm.s32 @p0 $0x1  }
0x13: {  	[smem:$0x3FAD] =	sst s0;
	s0 =	simm.s32 @!p1 $0x0  }
0x14: {  	s2 =	sld [smem:$0x3F91];
	s0 =	simm.s32 @p1 $0x1  }
0x15: {  	[smem:$0x3FAE] =	sst s0;
	s0 =	simm.s32 @!p2 $0x0  }
0x16: {  	s3 =	sld [smem:$0x3FDB];
	s0 =	simm.s32 @p2 $0x1  }
0x17: {  	s4 =	simm.s32 $0x1BF5;
	[smem:$0x3FB0] =	sst s0  }
0x18: {  	s0 =	sld [smem:$0x3F93];
	_ =	swait.ge [sflag:s4], $0x0  }
0x19: {  	s7 =	sld [smem:$0x3F94]  }
0x1a: {  	s8 =	sadd.s32 $0xFFFFE003, lr  }
0x1b: {  	s9 =	sadd.s32 $0xFFFFFEF7, lr;
	s5 =	simm.s32 $0xFFFFFFFF;
	p2 =	slt.u32 s8, $0xFFFFF086  }
0x1c: {  	p1 =	slt.u32 s9, $0xF7A;
	s5 =	simm.s32 @!p2 $0x0  }
0x1d: {  	s5 =	simm.s32 @p1 $0x1;
	p0 =	seq.s32 s7, s2  }
0x1e: {  	s7 =	smul.u32 @!p0 $0xF7A, s2;
	p2 =	seq.s32 @!p0 s5, $0x0  }
0x1f: {  	s9 =	smul.u32 $0xF7A, s1;
	s8 =	simm.s32 @!p0 $0x1BF5;
	p2 =	por !p2, p0  }
0x20: {  	[sflag:s8] =	ssyncset.s32 @!p0 $0xFFFFF086;
	s6 =	sadd.s32 @!p0 s3, s7;
	s7 =	simm.s32 @!p0 $0x108  }
0x21: {  	s3 =	sadd.s32 s3, s9;
	s6 =	sadd.s32 @!p0 $0x88, s6;
	s7 =	simm.s32 @p2 $0x1082  }
0x22: {  	[simem:s7], [sflag:s8] =	dma.local @!p0 [hbm:s6], $0xF7A  }
0x23: {  	s9 =	sor.u32 $0xD0000000, s2;
	s6 =	simm.s32 $0x108;
	_ =	swait.ge @!p0 [sflag:s8], $0x0  }
0x24: {  	s3 =	sadd.s32 $0x88, s3;
	s6 =	simm.s32 @!p1 $0x1082;
	[sflag:s4] =	ssyncset.s32 $0xFFFFF086  }
0x25: {  	[simem:s6], [sflag:s4] =	dma.local [hbm:s3], $0xF7A  }
0x26: {  	[smem:$0x3F94] =	sst s1;
	(tag) =	ssettag s2;
	_ =	strace s9  }
0x27: {  	s1 =	sld [smem:$0x3FA4]  }
0x28: {  	s2 =	sld [smem:$0x3FA5]  }
0x29: {  	s4 =	sld [smem:$0x3FA7]  }
0x2a: {  	p0 =	seq.s32 s5, $0x0;
	s5 =	sld [smem:$0x3FA8]  }
0x2b: {  	s6 =	sld [smem:$0x3FA9]  }
0x2c: {  	s7 =	sld [smem:$0x3FAA]  }
0x2d: {  	s3 =	simm.s32 $0x108;
	s8 =	sld [smem:$0x3FAB]  }
0x2e: {  	s3 =	simm.s32 @!p0 $0x1082;
	s9 =	sld [smem:$0x3FAC]  }
0x2f: {  	lr =	sadd.s32 s0, s3;
	s0 =	sld [smem:$0x3FA3]  }
0x30: {  	s3 =	sld [smem:$0x3FA6]  }
0x31: {  	[smem:$0x3FAF] =	sst s10  }
0x32: {  	s10 =	sld [smem:$0x3FAD];
	_ =	sdelay $0x3  }
0x33: {  	p0 =	seq.s32 s10, $0x1;
	s10 =	sld [smem:$0x3FAF];
	_ =	sdelay $0x3  }
0x34: {  	[smem:$0x3FAF] =	sst s10  }
0x35: {  	s10 =	sld [smem:$0x3FAE];
	_ =	sdelay $0x3  }
0x36: {  	p1 =	seq.s32 s10, $0x1;
	s10 =	sld [smem:$0x3FAF];
	_ =	sdelay $0x3  }
0x37: {  	[smem:$0x3FAF] =	sst s10  }
0x38: {  	s10 =	sld [smem:$0x3FB0]  }
0x39: {  	_ = 	snop;
	(pc) =	sbr.ind lr, $3  }
0x3a: {  	_ = 	snop  }
0x3b: {  	_ = 	snop  }
0x3c: {  	p2 =	seq.s32 s10, $0x1;
	s10 =	sld [smem:$0x3FAF]  }
0x3d: {  	_ =	shalt  }
0x3e: {  	_ =	shalt  }
0x3f: {  	_ =	shalt  }
0x40: {  	_ =	shalt  }
0x41: {  	_ =	shalt  }
0x42: {  	_ =	shalt  }
0x43: {  	_ =	shalt  }
0x44: {  	_ =	shalt  }
0x45: {  	_ =	shalt  }
0x46: {  	_ =	shalt  }
0x47: {  	_ =	shalt  }
0x48: {  	_ =	shalt  }
0x49: {  	_ =	shalt  }
0x4a: {  	_ =	shalt  }
0x4b: {  	_ =	shalt  }
0x4c: {  	_ =	shalt  }
0x4d: {  	_ =	shalt  }
0x4e: {  	_ =	shalt  }
0x4f: {  	_ =	shalt  }
0x50: {  	_ =	shalt  }
0x51: {  	_ =	shalt  }
0x52: {  	_ =	shalt  }
0x53: {  	_ =	shalt  }
0x54: {  	_ =	shalt  }
0x55: {  	_ =	shalt  }
0x56: {  	_ =	shalt  }
0x57: {  	_ =	shalt  }
0x58: {  	_ =	shalt  }
0x59: {  	_ =	shalt  }
0x5a: {  	_ =	shalt  }
0x5b: {  	_ =	shalt  }
0x5c: {  	_ =	shalt  }
0x5d: {  	_ =	shalt  }
0x5e: {  	_ =	shalt  }
0x5f: {  	_ =	shalt  }
0x60: {  	_ =	shalt  }
0x61: {  	_ =	shalt  }
0x62: {  	_ =	shalt  }
0x63: {  	_ =	shalt  }
0x64: {  	_ =	shalt  }
0x65: {  	_ =	shalt  }
0x66: {  	_ =	shalt  }
0x67: {  	_ =	shalt  }
0x68: {  	_ =	shalt  }
0x69: {  	_ =	shalt  }
0x6a: {  	_ =	shalt  }
0x6b: {  	_ =	shalt  }
0x6c: {  	_ =	shalt  }
0x6d: {  	_ =	shalt  }
0x6e: {  	_ =	shalt  }
0x6f: {  	_ =	shalt  }
0x70: {  	_ =	shalt  }
0x71: {  	_ =	shalt  }
0x72: {  	_ =	shalt  }
0x73: {  	_ =	shalt  }
0x74: {  	_ =	shalt  }
0x75: {  	_ =	shalt  }
0x76: {  	_ =	shalt  }
0x77: {  	_ =	shalt  }
0x78: {  	_ =	shalt  }
0x79: {  	_ =	shalt  }
0x7a: {  	_ =	shalt  }
0x7b: {  	_ =	shalt  }
0x7c: {  	_ =	shalt  }
0x7d: {  	_ =	shalt  }
0x7e: {  	_ =	shalt  }
0x7f: {  	_ =	shalt  }
0x80: {  	_ =	shalt  }
0x81: {  	_ =	shalt  }
0x82: {  	_ =	shalt  }
0x83: {  	_ =	shalt  }
0x84: {  	_ =	shalt  }
0x85: {  	_ =	shalt  }
0x86: {  	_ =	shalt  }
0x87: {  	_ =	shalt  }
.Lfunc_end0:
.L_simem_size_0:
called_computation_lowered:
.L_overlay_start_0:
0x88: {  	s2 =	sld [smem:$0x3FD9]  }
0x89: {  	s3 =	sld [smem:$0x3FFE];
	_ =	sdelay $0x1  }
0x8a: {  	s1 =	srdreg.scid  }
0x8b: {  	s0 =	sand.u32 $0x1, s1  }
0x8c: {  	s16 =	sshll.u32 s0, $0xA;
	s2 =	sadd.s32 s3, s2  }
0x8d: {  	s2 =	sadd.s32 s2, s16  }
0x8e: {  	[smem:$0x3FBB] =	sst s2  }
0x8f: {  	_ = 	snop  }
0x90: {  	(tm) =	ssettm $0x1  }
0x91: {  	s17 =	sld [smem:$0x3FFB];
	_ =	sdelay $0x3  }
0x92: {  	_ =	strace s17  }
0x93: {  	s2 =	sld [smem:$0x3FFC];
	_ =	sdelay $0x3  }
0x94: {  	_ =	strace s2  }
0x95: {  	s2 =	sld [smem:$0x3FFD];
	_ =	sdelay $0x3  }
0x96: {  	_ =	strace s2  }
0x97: {  	_ =	strace $0x8FFFFFFF  }
0x98: {  	s18 =	sld [smem:$0x3FDB];
	_ =	sdelay $0x1  }
0x99: {  	s19 =	simm.s32 $_scs_section_size  }
0x9a: {  	s4 =	simm.s32 $_size__tile_overlayer_lowered;
	s5 =	simm.s32 $_tile_overlayer_lowered  }
0x9b: {  	s22 =	simm.s32 $0x1BFF;
	s21 =	sshll.u32 s5, $0x1;
	s2 =	sadd.s32 s19, s18  }
0x9c: {  	s6 =	simm.s32 $0x0;
	s20 =	sshll.u32 s4, $0x1;
	s4 =	sadd.s32 s21, s2  }
0x9d: {  	[timem:s6], [sflag:s22] =	dma.local [hbm:s4], s20  }
0x9e: {  	_ =	swait.ge [sflag:s22], s20  }
0x9f: {  	s3 =	ssub.s32 $0x0, s20;
	[sflag:s22] =	ssyncset.done $0x0  }
0xa0: {  	[sflag:s22] =	ssyncadd.s32 s3;
	_ =	sdelay $0x1  }
0xa1: {  	s23 =	simm.s32 $0x1B8B  }
0xa2: {  	_ =	swait.ge [sflag:s23], $0x1  }
0xa3: {  	[sflag:s23] =	ssyncset.done $0x0  }
0xa4: {  	s25 =	simm.s32 $0x1B8E;
	s24 =	sld [smem:$0x3FFE];
	[sflag:s23] =	ssyncadd.s32 $0xFFFFFFFF  }
0xa5: {  	s26 =	simm.s32 $execute0_lowered;
	[smem:$0x3FD2] =	sst s25  }
0xa6: {  	s4 =	sshll.u32 s26, $0x1;
	_ =	strace $0x80000046;
	[dreg:$0x1] =	wrdreg $0xFFFFFFFF  }
0xa7: {  	s28 =	simm.s32 $_size_execute0_lowered;
	s2 =	sadd.s32 s2, s4;
	[dreg:$0x0] =	wrdreg $0x0  }
0xa8: {  	s4 =	sshll.u32 s28, $0x1;
	[dreg:$0x2] =	wrdreg s2  }
0xa9: {  	[dreg:$0x3] =	wrdreg s4  }
0xaa: {  	[dreg:$0x4] =	wrdreg $0xC0  }
0xab: {  	_ =	task [dreg:s6], $0x5FFFF  }
0xac: {  	[dreg:$0x1] =	wrdreg $0xFFFFFFFF  }
0xad: {  	[dreg:$0x0] =	wrdreg $0x60  }
0xae: {  	[dreg:$0x2] =	wrdreg s24  }
0xaf: {  	[dreg:$0x3] =	wrdreg $0x0  }
0xb0: {  	[dreg:$0x4] =	wrdreg $0xA0000  }
0xb1: {  	[dreg:$0x5] =	wrdreg $0xA  }
0xb2: {  	_ =	task.clear_ibuf [dreg:s6], $0x6FFFF;
	_ =	strace $0x90000046  }
0xb3: {  	s29 =	simm.s32 $0xA;
	_ =	strace $0x80000048  }
0xb4: {  	_ =	swait.ge [sflag:s29], $0x1  }
0xb5: {  	[sflag:s29] =	ssyncadd.s32 $0xFFFFFFFF  }
0xb6: {  	_ =	strace $0x90000048  }
0xb7: {  	_ =	sfence  }
0xb8: {  	s30 =	sld [smem:$0x0];
	_ =	sdelay $0x2  }
0xb9: {  	s31 =	sshll.u32 s1, $0xD;
	s1 =	sshrl.u32 s1, $0x2  }
0xba: {  	s3 =	sand.u32 $0x4000, s31;
	s1 =	sadd.s32 s1, s30  }
0xbb: {  	s0 =	sor.u32 s3, s0;
	s1 =	sshll.u32 s1, $0x11  }
0xbc: {  	s0 =	sor.u32 s1, s0  }
0xbd: {  	s0 =	sadd.s32 $0x8F2B, s0  }
0xbe: {  	[sflag:s0] =	ssyncadd.remote.s32 $0x1  }
0xbf: {  	_ =	sfence.sel $0xFFFF  }
0xc0: {  	[dreg:$0x0] =	wrdreg $0xFFFFFFFF;
	(pc) =	sbr.abs _section_cstart, $3  }
0xc1: {  	[dreg:$0x1] =	wrdreg $0xFFFFFFFF  }
0xc2: {  	_ =	task.clear_ibuf [dreg:s6], $0x2FFFF;
	_ =	strace $0x9FFFFFFF  }
0xc3: {  	(tm) =	ssettm $0x7FFFFFFF  }
tec
execute0_lowered:
.L_overlay_start_1:
0x0: {  	(tag) =	ssettag $0x1  }
0x1: {  	s0 =	rddreg [dreg:$0x0]  }
0x2: {  	s2 =	rddreg [dreg:$0x1];
	s1 =	srdreg.scid  }
0x3: {  	s3 =	rddreg [dreg:$0x2];
	s9 =	stileid.u32;
	s4 =	simm.s32 $0x0  }
0x4: {  	s13 =	simm.s32 $0x9;
	s15 =	simm.s32 $0x14000;
	s16 =	simm.s32 $0x80  }
0x5: {  	s17 =	simm.s32 $0x16800;
	s18 =	simm.s32 $0x18800;
	s19 =	simm.s32 $0x1A800  }
0x6: {  	s20 =	simm.s32 $0x1C800;
	s21 =	simm.s32 $0x1;
	s22 =	simm.s32 $0x2  }
0x7: {  	s23 =	simm.s32 $0x3;
	s24 =	simm.s32 $0x4;
	s25 =	simm.s32 $0x5  }
0x8: {  	s26 =	simm.s32 $0x6;
	s28 =	simm.s32 $0x7;
	s29 =	simm.s32 $0x8  }
0x9: {  	s1 =	sand.u32 $0x1, s1;
	s5 =	smul.u32 $0xA000, s9;
	[smem:$0x7FF] =	sst s4  }
0xa: {  	s10 =	sadd.s32 $0x3CC00, s0;
	s9 =	sshll.u32 s9, $0x6;
	s6 =	smul.u32 $0xA0000, s1  }
0xb: {  	_ =	strace $0x80000047;
	s1 =	ssub.s32 $0x2, s1;
	[dreg:$0x4] =	wrdreg s10  }
0xc: {  	s9 =	sor.u32 $0x1C09, s9;
	s8 =	sshrl.u32 s1, $0x1;
	s7 =	sadd.s32 s5, s6  }
0xd: {  	s30 =	sadd.s32 s5, s2;
	s14 =	sadd.s32 s5, s3;
	s7 =	sshrl.u32 s7, $0x3  }
0xe: {  	s6 =	sadd.s32 $0x28C00, s0;
	s1 =	ssub.s32 s1, s8;
	s0 =	sadd.s32 s7, s0  }
0xf: {  	s12 =	sshrl.u32 s30, $0x3;
	s14 =	sshrl.u32 s14, $0x3;
	s31 =	sadd.s32 $0xC00, s0  }
0x10: {  	s11 =	smax.u32 s1, $0x1;
	s10 =	sadd.s32 $0x3E000, s0;
	[dreg:$0x5] =	wrdreg s31  }
.LBB2_1:
0x11: {  	s0 =	rddreg [dreg:$0x5]  }
0x12: {  	[spmem:s12], [sflag:s9] =	dma.local [hbm:s0], $0x1400  }
0x13: {  	_ =	swait.ge [sflag:s13], $0x1400  }
0x14: {  	[sflag:s13] =	ssyncset.done $0x0  }
0x15: {  	s31 =	rddreg [dreg:$0x4];
	[sflag:s13] =	ssyncadd.s32 $0xFFFFEC00  }
0x16: {  	[spmem:s14], [sflag:s9] =	dma.local [hbm:s31], $0x1400  }
0x17: {  	_ =	swait.ge [sflag:s13], $0x1400  }
0x18: {  	[sflag:s13] =	ssyncset.done $0x0  }
0x19: {  	[sflag:s13] =	ssyncadd.s32 $0xFFFFEC00  }
0x1a: {  	s30 =	simm.s32 $0x0;
	[bflag:$0x0] =	sbarrier.arrive $0xFFFF  }
.LBB2_2:
0x1b: {  	s0 =	smul.u32 $0x2800, s30;
	_ =	sdelay $0x1  }
0x1c: {  	s0 =	sadd.s32 s5, s0  }
0x1d: {  	s0 =	sshrl.u32 s0, $0x3  }
0x1e: {  	s1 =	simm.s32 $0x0;
	s0 =	sadd.s32 s6, s0  }
0x1f: {  	[tilespmem:s15], [sflag:$0x9] =	stream.linear.gather [hbm4b:s0+s1], $0x2800, $0x38;
	[tilespmem:$0x1E800] =	vst v63  }
0x20: {  	_ =	swait.ge [sflag:s13], $0x2800  }
0x21: {  	[sflag:s13] =	ssyncset.done $0x0  }
0x22: {  	s7 =	simm.s32 $0x14000;
	[sflag:s13] =	ssyncadd.s32 $0xFFFFD800  }
0x23: {  	[tilespmem:s17], [sflag:$0x1] =	stream.indirect.gather [spmem:s2], $0x40, s7, s16, $0xb8;
	[tilespmem:$0x1E800] =	vst v63  }
0x24: {  	s8 =	simm.s32 $0x14100  }
0x25: {  	[tilespmem:s18], [sflag:$0x2] =	stream.indirect.gather [spmem:s2], $0x40, s8, s16, $0xb8;
	[tilespmem:$0x1E800] =	vst v63  }
0x26: {  	s1 =	simm.s32 $0x14200  }
0x27: {  	[tilespmem:s19], [sflag:$0x3] =	stream.indirect.gather [spmem:s2], $0x40, s1, s16, $0xb8;
	[tilespmem:$0x1E800] =	vst v63  }
0x28: {  	s7 =	simm.s32 $0x14300  }
0x29: {  	[tilespmem:s20], [sflag:$0x4] =	stream.indirect.gather [spmem:s2], $0x40, s7, s16, $0xb8;
	[tilespmem:$0x1E800] =	vst v63  }
0x2a: {  	_ =	swait.ge [sflag:s21], $0x2000  }
0x2b: {  	[sflag:s21] =	ssyncset.done $0x0  }
0x2c: {  	s8 =	simm.s32 $0x14080;
	[sflag:s21] =	ssyncadd.s32 $0xFFFFE000  }
0x2d: {  	[spmem:s3] =	stream.indirect.scatter.add.f32 [tilespmem:s17], [sflag:$0x5], $0x40, s8, s16, $0xb8;
	[tilespmem:$0x1E800] =	vst v63  }
0x2e: {  	_ =	swait.ge [sflag:s22], $0x2000  }
0x2f: {  	[sflag:s22] =	ssyncset.done $0x0  }
0x30: {  	s1 =	simm.s32 $0x14180;
	[sflag:s22] =	ssyncadd.s32 $0xFFFFE000  }
0x31: {  	[spmem:s3] =	stream.indirect.scatter.add.f32 [tilespmem:s18], [sflag:$0x6], $0x40, s1, s16, $0xb8;
	[tilespmem:$0x1E800] =	vst v63  }
0x32: {  	_ =	swait.ge [sflag:s23], $0x2000  }
0x33: {  	[sflag:s23] =	ssyncset.done $0x0  }
0x34: {  	s7 =	simm.s32 $0x14280;
	[sflag:s23] =	ssyncadd.s32 $0xFFFFE000  }
0x35: {  	[spmem:s3] =	stream.indirect.scatter.add.f32 [tilespmem:s19], [sflag:$0x7], $0x40, s7, s16, $0xb8;
	[tilespmem:$0x1E800] =	vst v63  }
0x36: {  	_ =	swait.ge [sflag:s24], $0x2000  }
0x37: {  	[sflag:s24] =	ssyncset.done $0x0  }
0x38: {  	s8 =	simm.s32 $0x14380;
	[sflag:s24] =	ssyncadd.s32 $0xFFFFE000  }
0x39: {  	[spmem:s3] =	stream.indirect.scatter.add.f32 [tilespmem:s20], [sflag:$0x8], $0x40, s8, s16, $0xb8;
	[tilespmem:$0x1E800] =	vst v63  }
0x3a: {  	_ =	swait.ge [sflag:s25], $0x2000  }
0x3b: {  	[sflag:s25] =	ssyncset.done $0x0  }
0x3c: {  	[sflag:s25] =	ssyncadd.s32 $0xFFFFE000  }
0x3d: {  	_ =	swait.ge [sflag:s26], $0x2000  }
0x3e: {  	[sflag:s26] =	ssyncset.done $0x0  }
0x3f: {  	[sflag:s26] =	ssyncadd.s32 $0xFFFFE000  }
0x40: {  	_ =	swait.ge [sflag:s28], $0x2000  }
0x41: {  	[sflag:s28] =	ssyncset.done $0x0  }
0x42: {  	[sflag:s28] =	ssyncadd.s32 $0xFFFFE000  }
0x43: {  	_ =	swait.ge [sflag:s29], $0x2000  }
0x44: {  	s31 =	simm.s32 $0x400;
	s0 =	simm.s32 $0x2000;
	[sflag:s29] =	ssyncset.done $0x0  }
.LBB2_3:
0x45: {  	s8 =	sadd.s32 $0x14000, s31  }
0x46: {  	[sflag:s29] =	ssyncadd.s32 $0xFFFFE000;
	s1 =	smov.u32 s0;
	s7 =	sadd.s32 $0x1000, s0  }
0x47: {  	[tilespmem:s17], [sflag:$0x1] =	stream.indirect.gather [spmem:s2], $0x40, s8, s16, $0xb8;
	[tilespmem:$0x1E800] =	vst v63  }
0x48: {  	p0 =	sne.s32 s0, $0x9000;
	s0 =	sadd.s32 $0x14100, s31  }
0x49: {  	[tilespmem:s18], [sflag:$0x2] =	stream.indirect.gather [spmem:s2], $0x40, s0, s16, $0xb8;
	[tilespmem:$0x1E800] =	vst v63  }
0x4a: {  	s0 =	sadd.s32 $0x14200, s31  }
0x4b: {  	[tilespmem:s19], [sflag:$0x3] =	stream.indirect.gather [spmem:s2], $0x40, s0, s16, $0xb8;
	[tilespmem:$0x1E800] =	vst v63  }
0x4c: {  	s0 =	sadd.s32 $0x14300, s31  }
0x4d: {  	[tilespmem:s20], [sflag:$0x4] =	stream.indirect.gather [spmem:s2], $0x40, s0, s16, $0xb8;
	[tilespmem:$0x1E800] =	vst v63  }
0x4e: {  	_ =	swait.ge [sflag:s21], $0x2000  }
0x4f: {  	[sflag:s21] =	ssyncset.done $0x0  }
0x50: {  	s0 =	sadd.s32 $0x14080, s31;
	[sflag:s21] =	ssyncadd.s32 $0xFFFFE000  }
0x51: {  	[spmem:s3] =	stream.indirect.scatter.add.f32 [tilespmem:s17], [sflag:$0x5], $0x40, s0, s16, $0xb8;
	[tilespmem:$0x1E800] =	vst v63  }
0x52: {  	_ =	swait.ge [sflag:s22], $0x2000  }
0x53: {  	[sflag:s22] =	ssyncset.done $0x0  }
0x54: {  	s0 =	sadd.s32 $0x14180, s31;
	[sflag:s22] =	ssyncadd.s32 $0xFFFFE000  }
0x55: {  	[spmem:s3] =	stream.indirect.scatter.add.f32 [tilespmem:s18], [sflag:$0x6], $0x40, s0, s16, $0xb8;
	[tilespmem:$0x1E800] =	vst v63  }
0x56: {  	_ =	swait.ge [sflag:s23], $0x2000  }
0x57: {  	[sflag:s23] =	ssyncset.done $0x0  }
0x58: {  	s0 =	sadd.s32 $0x14280, s31;
	[sflag:s23] =	ssyncadd.s32 $0xFFFFE000  }
0x59: {  	[spmem:s3] =	stream.indirect.scatter.add.f32 [tilespmem:s19], [sflag:$0x7], $0x40, s0, s16, $0xb8;
	[tilespmem:$0x1E800] =	vst v63  }
0x5a: {  	_ =	swait.ge [sflag:s24], $0x2000  }
0x5b: {  	[sflag:s24] =	ssyncset.done $0x0  }
0x5c: {  	s0 =	sadd.s32 $0x14380, s31;
	[sflag:s24] =	ssyncadd.s32 $0xFFFFE000  }
0x5d: {  	[spmem:s3] =	stream.indirect.scatter.add.f32 [tilespmem:s20], [sflag:$0x8], $0x40, s0, s16, $0xb8;
	[tilespmem:$0x1E800] =	vst v63  }
0x5e: {  	_ =	swait.ge [sflag:s25], $0x2000  }
0x5f: {  	[sflag:s25] =	ssyncset.done $0x0  }
0x60: {  	[sflag:s25] =	ssyncadd.s32 $0xFFFFE000  }
0x61: {  	_ =	swait.ge [sflag:s26], $0x2000  }
0x62: {  	[sflag:s26] =	ssyncset.done $0x0  }
0x63: {  	[sflag:s26] =	ssyncadd.s32 $0xFFFFE000  }
.Ltmp0:
0x64: {  	_ =	swait.ge [sflag:s28], $0x2000;
	(pc) =	sbr.rel @p0 .LBB2_3-.Ltmp0, $4  }
0x65: {  	[sflag:s28] =	ssyncset.done $0x0  }
0x66: {  	[sflag:s28] =	ssyncadd.s32 $0xFFFFE000  }
0x67: {  	_ =	swait.ge [sflag:s29], $0x2000  }
0x68: {  	s31 =	sshra.s32 s1, $0x2;
	s0 =	smov.u32 s7;
	[sflag:s29] =	ssyncset.done $0x0  }
0x69: {  	s0 =	sadd.s32 $0x14000, s31;
	[sflag:s29] =	ssyncadd.s32 $0xFFFFE000  }
0x6a: {  	[tilespmem:s17], [sflag:$0x1] =	stream.indirect.gather [spmem:s2], $0x40, s0, s16, $0xb8;
	[tilespmem:$0x1E800] =	vst v63  }
0x6b: {  	s1 =	sadd.s32 $0x14100, s31  }
0x6c: {  	[tilespmem:s18], [sflag:$0x2] =	stream.indirect.gather [spmem:s2], $0x40, s1, s16, $0xb8;
	[tilespmem:$0x1E800] =	vst v63  }
0x6d: {  	s7 =	sadd.s32 $0x14200, s31  }
0x6e: {  	[tilespmem:s19], [sflag:$0x3] =	stream.indirect.gather [spmem:s2], $0x40, s7, s16, $0xb8;
	[tilespmem:$0x1E800] =	vst v63  }
0x6f: {  	s8 =	sadd.s32 $0x14300, s31  }
0x70: {  	[tilespmem:s20], [sflag:$0x4] =	stream.indirect.gather [spmem:s2], $0x40, s8, s16, $0xb8;
	[tilespmem:$0x1E800] =	vst v63  }
0x71: {  	_ =	swait.ge [sflag:s21], $0x2000  }
0x72: {  	[sflag:s21] =	ssyncset.done $0x0  }
0x73: {  	s1 =	sadd.s32 $0x14080, s31;
	[sflag:s21] =	ssyncadd.s32 $0xFFFFE000  }
0x74: {  	[spmem:s3] =	stream.indirect.scatter.add.f32 [tilespmem:s17], [sflag:$0x5], $0x40, s1, s16, $0xb8;
	[tilespmem:$0x1E800] =	vst v63  }
0x75: {  	_ =	swait.ge [sflag:s22], $0x2000  }
0x76: {  	[sflag:s22] =	ssyncset.done $0x0  }
0x77: {  	s7 =	sadd.s32 $0x14180, s31;
	[sflag:s22] =	ssyncadd.s32 $0xFFFFE000  }
0x78: {  	[spmem:s3] =	stream.indirect.scatter.add.f32 [tilespmem:s18], [sflag:$0x6], $0x40, s7, s16, $0xb8;
	[tilespmem:$0x1E800] =	vst v63  }
0x79: {  	_ =	swait.ge [sflag:s23], $0x2000  }
0x7a: {  	[sflag:s23] =	ssyncset.done $0x0  }
0x7b: {  	s8 =	sadd.s32 $0x14280, s31;
	[sflag:s23] =	ssyncadd.s32 $0xFFFFE000  }
0x7c: {  	[spmem:s3] =	stream.indirect.scatter.add.f32 [tilespmem:s19], [sflag:$0x7], $0x40, s8, s16, $0xb8;
	[tilespmem:$0x1E800] =	vst v63  }
0x7d: {  	_ =	swait.ge [sflag:s24], $0x2000  }
0x7e: {  	[sflag:s24] =	ssyncset.done $0x0  }
0x7f: {  	s31 =	sadd.s32 $0x14380, s31;
	[sflag:s24] =	ssyncadd.s32 $0xFFFFE000  }
0x80: {  	[spmem:s3] =	stream.indirect.scatter.add.f32 [tilespmem:s20], [sflag:$0x8], $0x40, s31, s16, $0xb8;
	[tilespmem:$0x1E800] =	vst v63  }
0x81: {  	_ =	swait.ge [sflag:s25], $0x2000  }
0x82: {  	[sflag:s25] =	ssyncset.done $0x0  }
0x83: {  	[sflag:s25] =	ssyncadd.s32 $0xFFFFE000  }
0x84: {  	_ =	swait.ge [sflag:s26], $0x2000  }
0x85: {  	[sflag:s26] =	ssyncset.done $0x0  }
0x86: {  	s30 =	sadd.s32 $0x1, s30;
	[sflag:s26] =	ssyncadd.s32 $0xFFFFE000  }
0x87: {  	p0 =	sne.s32 s30, $0x4;
	_ =	swait.ge [sflag:s28], $0x2000  }
.Ltmp1:
0x88: {  	[sflag:s28] =	ssyncset.done $0x0;
	(pc) =	sbr.rel @p0 .LBB2_2-.Ltmp1, $4  }
0x89: {  	[sflag:s28] =	ssyncadd.s32 $0xFFFFE000  }
0x8a: {  	_ =	swait.ge [sflag:s29], $0x2000  }
0x8b: {  	[sflag:s29] =	ssyncset.done $0x0  }
0x8c: {  	[sflag:s29] =	ssyncadd.s32 $0xFFFFE000  }
0x8d: {  	s4 =	sadd.s32 $0x1, s4  }
0x8e: {  	p0 =	sne.s32 s4, s11  }
.Ltmp2:
0x8f: {  	[bflag:$0x0] =	sbarrier.arrive $0xFFFF;
	(pc) =	sbr.rel @p0 .LBB2_1-.Ltmp2, $4  }
0x90: {  	[hbm:s10], [sflag:s9] =	dma.local [spmem:s14], $0x1400  }
0x91: {  	_ =	swait.ge [sflag:s13], $0x1400  }
0x92: {  	[sflag:s13] =	ssyncset.done $0x0  }
0x93: {  	[sflag:s13] =	ssyncadd.s32 $0xFFFFEC00  }
0x94: {  	_ =	sfence.sel $0x180000  }
0x95: {  	[bflag:$0x0] =	sbarrier.arrive $0xFFFF  }
0x96: {  	_ =	strace $0x90000047  }
0x97: {  	s0 =	stileid.u32;
	[bflag:$0x2] =	sbarrier.arrive $0xFFFF  }
0x98: {  	p0 =	sne.s32 s0, $0x0;
	s0 =	rddreg [dreg:$0x3]  }
0x99: {  	s0 =	sadd.s32 @!p0 $0x100000, s0  }
0x9a: {  	[sflag:s0] =	ssyncadd.tile.s32 @!p0 $0x1;
	_ =	shalt  }
.Lfunc_end2:
_tile_overlayer_lowered:
.L_overlay_start_2:
0x9b: {  	(tag) =	ssettag $0x2  }
0x9c: {  	s0 =	rddreg [dreg:$0x0];
	s2 =	stileid.u32  }
0x9d: {  	s1 =	rddreg [dreg:$0x1];
	p0 =	sne.s32 s2, $0x0  }
0x9e: {  	s3 =	rddreg [dreg:$0x2];
	[bflag:$0x3] =	sbarrier.arrive $0xFFFF;
	s2 =	simm.s32 @!p0 $0x1C09  }
0x9f: {  	[timem:s3], [sflag:s2] =	dma.local @!p0 [hbm:s0], s1  }
0xa0: {  	s0 =	simm.s32 @!p0 $0x9  }
0xa1: {  	_ =	swait.ge @!p0 [sflag:s0], s1  }
0xa2: {  	s1 =	ssub.s32 @!p0 $0x0, s1;
	[sflag:s0] =	ssyncset.done @!p0 $0x0  }
0xa3: {  	[sflag:s0] =	ssyncadd.s32 @!p0 s1  }
0xa4: {  	[bflag:$0x3] =	sbarrier.arrive $0xFFFF  }
0xa5: {  	_ =	shalt  }

</sc_bundles>
